<compile_context>
chip_gen: v7x
topology: tpu7x:2x2x1
jax: 0.10.2.dev20260603
libtpu: 0.0.44.dev20260713+nightly
codegen_flags: <defaults>
</compile_context>

<pallas_src>
import jax
import jax.numpy as jnp
from jax.experimental import pallas as pl
from jax.experimental.pallas import tpu as pltpu

S, D, FF, E = 2048, 2048, 4096, 8
BLK = 512
NFF = 8
FFB = FF // NFF
NB = (2 * S) // BLK + E
P = NB * BLK


def _router_body(x_ref, gw_ref, e_ref, w_ref):
    x = x_ref[...]
    gw = gw_ref[...]
    logits = jax.lax.dot_general(
        x, gw, (((1,), (1,)), ((), ())), preferred_element_type=jnp.float32)
    idx = jax.lax.broadcasted_iota(jnp.int32, (S, E), 1)
    m1 = jnp.max(logits, axis=1, keepdims=True)
    e1 = jnp.min(jnp.where(logits == m1, idx, E), axis=1, keepdims=True)
    l2 = jnp.where(idx == e1, -jnp.inf, logits)
    m2 = jnp.max(l2, axis=1, keepdims=True)
    e2 = jnp.min(jnp.where(l2 == m2, idx, E), axis=1, keepdims=True)
    w1 = jax.nn.sigmoid(m1 - m2)
    e_ref[...] = jnp.concatenate([e1, e2], axis=1)
    w_ref[...] = jnp.concatenate([w1, 1.0 - w1], axis=1)


def _router(xf, gate_w):
    return pl.pallas_call(
        _router_body,
        out_shape=(
            jax.ShapeDtypeStruct((S, 2), jnp.int32),
            jax.ShapeDtypeStruct((S, 2), jnp.float32),
        ),
    )(xf, gate_w)


def _ffn_body(be_ref, act_ref, x_ref, wg_ref, wu_ref, wd_ref, w_ref, o_ref):
    nb = pl.program_id(0)
    ff = pl.program_id(1)

    @pl.when(act_ref[nb] == 1)
    def _():
        xb = x_ref[...]
        wg = wg_ref[0].astype(jnp.bfloat16)
        wu = wu_ref[0].astype(jnp.bfloat16)
        g = jax.lax.dot_general(
            xb, wg, (((1,), (1,)), ((), ())), preferred_element_type=jnp.float32)
        u = jax.lax.dot_general(
            xb, wu, (((1,), (1,)), ((), ())), preferred_element_type=jnp.float32)
        h = (g * jax.nn.sigmoid(g) * u).astype(jnp.bfloat16)
        wd = wd_ref[0].astype(jnp.bfloat16)
        y = jax.lax.dot_general(
            h, wd, (((1,), (1,)), ((), ())), preferred_element_type=jnp.float32)

        @pl.when(ff == 0)
        def _():
            o_ref[...] = y

        @pl.when(ff != 0)
        def _():
            o_ref[...] += y

        @pl.when(ff == NFF - 1)
        def _():
            o_ref[...] *= w_ref[...]


def _ffz(ff, a):
    return ff * a + (NFF - 1) * (1 - a)


def _grouped_ffn(be, act, xg16, Wg, Wu, Wd, wpad2):
    grid_spec = pltpu.PrefetchScalarGridSpec(
        num_scalar_prefetch=2,
        grid=(NB, NFF),
        in_specs=[
            pl.BlockSpec((BLK, D), lambda nb, ff, be, act: (nb, 0)),
            pl.BlockSpec((1, FFB, D),
                         lambda nb, ff, be, act: (be[nb], _ffz(ff, act[nb]), 0)),
            pl.BlockSpec((1, FFB, D),
                         lambda nb, ff, be, act: (be[nb], _ffz(ff, act[nb]), 0)),
            pl.BlockSpec((1, D, FFB),
                         lambda nb, ff, be, act: (be[nb], 0, _ffz(ff, act[nb]))),
            pl.BlockSpec((BLK, 1), lambda nb, ff, be, act: (nb, 0)),
        ],
        out_specs=pl.BlockSpec((BLK, D), lambda nb, ff, be, act: (nb, 0)),
    )
    return pl.pallas_call(
        _ffn_body,
        grid_spec=grid_spec,
        out_shape=jax.ShapeDtypeStruct((P, D), jnp.float32),
        compiler_params=pltpu.CompilerParams(
            dimension_semantics=("parallel", "arbitrary"),
            vmem_limit_bytes=100 * 1024 * 1024),
    )(be, act, xg16, Wg, Wu, Wd, wpad2)


def kernel(hidden_states, gate_w, Wg, Wu, Wd):
    b, s, d = hidden_states.shape
    xf = hidden_states.reshape(S, D)

    e_out, w_out = _router(xf, gate_w)

    ef = e_out.reshape(-1)
    wf = w_out.reshape(-1)
    oh = (ef[:, None] == jnp.arange(E, dtype=jnp.int32)[None, :]).astype(jnp.int32)
    cs = jnp.cumsum(oh, axis=0)
    rank = jnp.take_along_axis(cs, ef[:, None], axis=1)[:, 0] - 1
    counts = cs[-1]
    pc = ((counts + BLK - 1) // BLK) * BLK
    ends = jnp.cumsum(pc)
    off = ends - pc
    p = off[ef] + rank
    tok = jnp.arange(2 * S, dtype=jnp.int32) // 2
    gidx = jnp.zeros((P,), jnp.int32).at[p].set(tok)
    wpad = jnp.zeros((P,), jnp.float32).at[p].set(wf)

    nb_start = jnp.arange(NB, dtype=jnp.int32) * BLK
    total = ends[-1]
    act = (nb_start < total).astype(jnp.int32)
    be_raw = jnp.sum((ends[None, :] <= nb_start[:, None]).astype(jnp.int32), axis=1)
    last_e = be_raw[(total // BLK) - 1]
    be = jnp.where(act == 1, be_raw, last_e).astype(jnp.int32)

    x16 = xf.astype(jnp.bfloat16)
    xg16 = jnp.take(x16, gidx, axis=0)

    y = _grouped_ffn(be, act, xg16, Wg, Wu, Wd, wpad.reshape(P, 1))

    p1 = p[0::2]
    p2 = p[1::2]
    out = jnp.take(y, p1, axis=0) + jnp.take(y, p2, axis=0)
    return out.reshape(b, s, d)

# --- scband reference (transcript-rebuilt; emitter-appended) ---
"""Pipeline reference for scband-xoron-mo-e-87445534147205 (READ-ONLY COPY).

The authoritative reference and input builder live on the scoring server;
editing this copy changes nothing except your own understanding.
"""

import jax, jax.numpy as jnp
import numpy as np

B, S, D, FF, E, TOP_K = 1, 2048, 2048, 4096, 8, 2


def setup_inputs(seed: int = 0) -> dict:
    key = jax.random.key(seed)
    ks = jax.random.split(key, 5)
    hidden_states = jax.random.normal(ks[0], (B, S, D), dtype=jnp.float32) * 0.02
    gate_w = jax.random.normal(ks[1], (E, D), dtype=jnp.float32) * 0.02
    Wg = jax.random.normal(ks[2], (E, FF, D), dtype=jnp.float32) * 0.02
    Wu = jax.random.normal(ks[3], (E, FF, D), dtype=jnp.float32) * 0.02
    Wd = jax.random.normal(ks[4], (E, D, FF), dtype=jnp.float32) * 0.02
    return {"hidden_states": hidden_states, "gate_w": gate_w, "Wg": Wg, "Wu": Wu, "Wd": Wd}


def _moe_forward(hidden_states, gate_w, Wg, Wu, Wd):
    b, s, d = hidden_states.shape
    xf = hidden_states.reshape(-1, d)
    router_logits = xf @ gate_w.T
    routing_weights = jax.nn.softmax(router_logits.astype(jnp.float32), axis=-1)
    topk_weights, topk_indices = jax.lax.top_k(routing_weights, TOP_K)
    # norm_topk_prob = True
    topk_weights = topk_weights / jnp.sum(topk_weights, axis=-1, keepdims=True)
    topk_weights = topk_weights.astype(hidden_states.dtype)
    out = jnp.zeros_like(xf)
    for e in range(E):
        # per-token scalar weight for expert e (zero if not selected) --
        # mathematically identical to torch's gather-per-expert dispatch
        w_e = jnp.sum(topk_weights * (topk_indices == e).astype(hidden_states.dtype), axis=-1, keepdims=True)
        g = jax.nn.silu(xf @ Wg[e].T)
        h = g * (xf @ Wu[e].T)
        out = out + w_e * (h @ Wd[e].T)
    return out.reshape(b, s, d)


def reference(hidden_states, gate_w, Wg, Wu, Wd):
    return _moe_forward(hidden_states, gate_w, Wg, Wu, Wd)

if __name__ == "__main__":
    import jax
    _d = setup_inputs()
    print(jax.jit(kernel)(*tuple(_d.values())))

</pallas_src>

<mosaic_0001>
module attributes {stable_mosaic.version = 14 : i64} {
  func.func @_router_body(%arg0: memref<2048x2048xf32, #tpu.memory_space<vmem>>, %arg1: memref<8x2048xf32, #tpu.memory_space<vmem>>, %arg2: memref<2048x2xi32, #tpu.memory_space<vmem>>, %arg3: memref<2048x2xf32, #tpu.memory_space<vmem>>) attributes {dimension_semantics = [], scalar_prefetch = 0 : i64, scratch_operands = 0 : i64, tpu.core_type = #tpu.core_type<tc>} {
    %get3A = arith.constant 0 : index
    %get3A_0 = arith.constant 0 : index
    %get3A_1 = vector.load %arg0[%get3A, %get3A_0] : memref<2048x2048xf32, #tpu.memory_space<vmem>>, vector<2048x2048xf32>
    %get3A_2 = arith.constant 0 : index
    %get3A_3 = arith.constant 0 : index
    %get3A_4 = vector.load %arg1[%get3A_2, %get3A_3] : memref<8x2048xf32, #tpu.memory_space<vmem>>, vector<8x2048xf32>
    %dot_general3A = arith.constant dense<0.000000e+00> : vector<2048x8xf32>
    %dot_general3A_5 = tpu.matmul %get3A_1, %get3A_4, %dot_general3A {dimension_numbers = #tpu.dot_dimension_numbers<[1], [1], [0], [0], [0, 0, 1, 0], [], []>, transpose_lhs_hint = false} : vector<2048x2048xf32>, vector<8x2048xf32>, vector<2048x8xf32> -> vector<2048x8xf32>
    %iota3A = tpu.iota {dimensions = array<i32: 1>} : vector<2048x8xi32>
    %reduce_max3A = arith.constant dense<0xFF800000> : vector<2048xf32>
    %reduce_max3A_6 = vector.multi_reduction <maximumf>, %dot_general3A_5, %reduce_max3A [1] : vector<2048x8xf32> to vector<2048xf32>
    %broadcast_in_dim3A = vector.shape_cast %reduce_max3A_6 : vector<2048xf32> to vector<2048x1xf32>
    %eq3A = vector.broadcast %broadcast_in_dim3A : vector<2048x1xf32> to vector<2048x8xf32>
    %eq3A_7 = arith.cmpf oeq, %dot_general3A_5, %eq3A : vector<2048x8xf32>
    %jit3A = arith.constant 8 : i32
    %broadcast_in_dim3A_8 = vector.broadcast %jit3A : i32 to vector<2048x8xi32>
    %select_n3A = arith.select %eq3A_7, %iota3A, %broadcast_in_dim3A_8 : vector<2048x8xi1>, vector<2048x8xi32>
    %reduce_min3A = arith.constant dense<2147483647> : vector<2048xi32>
    %reduce_min3A_9 = vector.multi_reduction <minsi>, %select_n3A, %reduce_min3A [1] : vector<2048x8xi32> to vector<2048xi32>
    %broadcast_in_dim3A_10 = vector.shape_cast %reduce_min3A_9 : vector<2048xi32> to vector<2048x1xi32>
    %eq3A_11 = vector.broadcast %broadcast_in_dim3A_10 : vector<2048x1xi32> to vector<2048x8xi32>
    %eq3A_12 = arith.cmpi eq, %iota3A, %eq3A_11 : vector<2048x8xi32>
    %jit3A_13 = arith.constant 0xFF800000 : f32
    %broadcast_in_dim3A_14 = vector.broadcast %jit3A_13 : f32 to vector<2048x8xf32>
    %select_n3A_15 = arith.select %eq3A_12, %broadcast_in_dim3A_14, %dot_general3A_5 : vector<2048x8xi1>, vector<2048x8xf32>
    %reduce_max3A_16 = arith.constant dense<0xFF800000> : vector<2048xf32>
    %reduce_max3A_17 = vector.multi_reduction <maximumf>, %select_n3A_15, %reduce_max3A_16 [1] : vector<2048x8xf32> to vector<2048xf32>
    %broadcast_in_dim3A_18 = vector.shape_cast %reduce_max3A_17 : vector<2048xf32> to vector<2048x1xf32>
    %eq3A_19 = vector.broadcast %broadcast_in_dim3A_18 : vector<2048x1xf32> to vector<2048x8xf32>
    %eq3A_20 = arith.cmpf oeq, %select_n3A_15, %eq3A_19 : vector<2048x8xf32>
    %jit3A_21 = arith.constant 8 : i32
    %broadcast_in_dim3A_22 = vector.broadcast %jit3A_21 : i32 to vector<2048x8xi32>
    %select_n3A_23 = arith.select %eq3A_20, %iota3A, %broadcast_in_dim3A_22 : vector<2048x8xi1>, vector<2048x8xi32>
    %reduce_min3A_24 = arith.constant dense<2147483647> : vector<2048xi32>
    %reduce_min3A_25 = vector.multi_reduction <minsi>, %select_n3A_23, %reduce_min3A_24 [1] : vector<2048x8xi32> to vector<2048xi32>
    %broadcast_in_dim3A_26 = vector.shape_cast %reduce_min3A_25 : vector<2048xi32> to vector<2048x1xi32>
    %sub3A = arith.subf %broadcast_in_dim3A, %broadcast_in_dim3A_18 : vector<2048x1xf32>
    %logistic3A = arith.negf %sub3A : vector<2048x1xf32>
    %logistic3A_27 = math.exp %logistic3A : vector<2048x1xf32>
    %logistic3A_28 = arith.constant 1.000000e+00 : f32
    %logistic3A_29 = vector.broadcast %logistic3A_28 : f32 to vector<2048x1xf32>
    %logistic3A_30 = arith.addf %logistic3A_29, %logistic3A_27 : vector<2048x1xf32>
    %logistic3A_31 = arith.divf %logistic3A_29, %logistic3A_30 : vector<2048x1xf32>
    %concatenate3A = tpu.concatenate %broadcast_in_dim3A_10, %broadcast_in_dim3A_26 in 1 : vector<2048x1xi32>, vector<2048x1xi32> -> vector<2048x2xi32>
    %swap3A = arith.constant 0 : index
    %swap3A_32 = arith.constant 0 : index
    %swap3A_33 = vector.load %arg2[%swap3A, %swap3A_32] : memref<2048x2xi32, #tpu.memory_space<vmem>>, vector<2048x2xi32>
    tpu.vector_store %arg2[%swap3A, %swap3A_32], %concatenate3A {strides = array<i32>} : memref<2048x2xi32, #tpu.memory_space<vmem>>, vector<2048x2xi32>,
    %sub3A_34 = arith.constant 1.000000e+00 : f32
    %sub3A_35 = vector.broadcast %sub3A_34 : f32 to vector<2048x1xf32>
    %sub3A_36 = arith.subf %sub3A_35, %logistic3A_31 : vector<2048x1xf32>
    %concatenate3A_37 = tpu.concatenate %logistic3A_31, %sub3A_36 in 1 : vector<2048x1xf32>, vector<2048x1xf32> -> vector<2048x2xf32>
    %swap3A_38 = arith.constant 0 : index
    %swap3A_39 = arith.constant 0 : index
    %swap3A_40 = vector.load %arg3[%swap3A_38, %swap3A_39] : memref<2048x2xf32, #tpu.memory_space<vmem>>, vector<2048x2xf32>
    tpu.vector_store %arg3[%swap3A_38, %swap3A_39], %concatenate3A_37 {strides = array<i32>} : memref<2048x2xf32, #tpu.memory_space<vmem>>, vector<2048x2xf32>,
    return
  }
}

module attributes {stable_mosaic.version = 14 : i64} {
  func.func @_ffn_body(%arg0: i32, %arg1: i32, %arg2: memref<16xi32, #tpu.memory_space<smem>>, %arg3: memref<16xi32, #tpu.memory_space<smem>>, %arg4: memref<512x2048xbf16, #tpu.memory_space<vmem>>, %arg5: memref<1x512x2048xf32, #tpu.memory_space<vmem>>, %arg6: memref<1x512x2048xf32, #tpu.memory_space<vmem>>, %arg7: memref<1x2048x512xf32, #tpu.memory_space<vmem>>, %arg8: memref<512x1xf32, #tpu.memory_space<vmem>>, %arg9: memref<512x2048xf32, #tpu.memory_space<vmem>>) attributes {dimension_semantics = [#tpu.dimension_semantics<parallel>, #tpu.dimension_semantics<arbitrary>], iteration_bounds = array<i64: 16, 8>, scalar_prefetch = 2 : i64, scratch_operands = 0 : i64, tpu.core_type = #tpu.core_type<tc>, window_params = [{transform_indices = @transform_0, window_bounds = array<i64: 512, 2048>}, {transform_indices = @transform_1, window_bounds = array<i64: 1, 512, 2048>}, {transform_indices = @transform_2, window_bounds = array<i64: 1, 512, 2048>}, {transform_indices = @transform_3, window_bounds = array<i64: 1, 2048, 512>}, {transform_indices = @transform_4, window_bounds = array<i64: 512, 1>}, {transform_indices = @transform_5, window_bounds = array<i64: 512, 2048>}]} {
    %get3A = arith.index_cast %arg0 : i32 to index
    %get3A_0 = memref.load %arg3[%get3A] : memref<16xi32, #tpu.memory_space<smem>>
    %eq3A = arith.constant 1 : i32
    %eq3A_1 = arith.cmpi eq, %get3A_0, %eq3A : i32
    %convert_element_type3A = arith.extui %eq3A_1 : i1 to i32
    %cond3A = arith.constant 0 : i32
    %cond3A_2 = arith.cmpi ne, %convert_element_type3A, %cond3A : i32
    scf.if %cond3A_2 {
      %get3A_3 = arith.constant 0 : index
      %get3A_4 = arith.constant 0 : index
      %get3A_5 = vector.load %arg4[%get3A_3, %get3A_4] : memref<512x2048xbf16, #tpu.memory_space<vmem>>, vector<512x2048xbf16>
      %get3A_6 = arith.constant 0 : index
      %get3A_7 = arith.constant 0 : index
      %get3A_8 = arith.constant 0 : index
      %get3A_9 = vector.load %arg5[%get3A_6, %get3A_7, %get3A_8] : memref<1x512x2048xf32, #tpu.memory_space<vmem>>, vector<1x512x2048xf32>
      %get3A_10 = vector.shape_cast %get3A_9 : vector<1x512x2048xf32> to vector<512x2048xf32>
      %convert_element_type3A_11 = arith.truncf %get3A_10 : vector<512x2048xf32> to vector<512x2048xbf16>
      %get3A_12 = arith.constant 0 : index
      %get3A_13 = arith.constant 0 : index
      %get3A_14 = arith.constant 0 : index
      %get3A_15 = vector.load %arg6[%get3A_12, %get3A_13, %get3A_14] : memref<1x512x2048xf32, #tpu.memory_space<vmem>>, vector<1x512x2048xf32>
      %get3A_16 = vector.shape_cast %get3A_15 : vector<1x512x2048xf32> to vector<512x2048xf32>
      %convert_element_type3A_17 = arith.truncf %get3A_16 : vector<512x2048xf32> to vector<512x2048xbf16>
      %dot_general3A = arith.constant dense<0.000000e+00> : vector<512x512xf32>
      %dot_general3A_18 = tpu.matmul %get3A_5, %convert_element_type3A_11, %dot_general3A {dimension_numbers = #tpu.dot_dimension_numbers<[1], [1], [0], [0], [0, 0, 1, 0], [], []>, transpose_lhs_hint = false} : vector<512x2048xbf16>, vector<512x2048xbf16>, vector<512x512xf32> -> vector<512x512xf32>
      %dot_general3A_19 = arith.constant dense<0.000000e+00> : vector<512x512xf32>
      %dot_general3A_20 = tpu.matmul %get3A_5, %convert_element_type3A_17, %dot_general3A_19 {dimension_numbers = #tpu.dot_dimension_numbers<[1], [1], [0], [0], [0, 0, 1, 0], [], []>, transpose_lhs_hint = false} : vector<512x2048xbf16>, vector<512x2048xbf16>, vector<512x512xf32> -> vector<512x512xf32>
      %logistic3A = arith.negf %dot_general3A_18 : vector<512x512xf32>
      %logistic3A_21 = math.exp %logistic3A : vector<512x512xf32>
      %logistic3A_22 = arith.constant 1.000000e+00 : f32
      %logistic3A_23 = vector.broadcast %logistic3A_22 : f32 to vector<512x512xf32>
      %logistic3A_24 = arith.addf %logistic3A_23, %logistic3A_21 : vector<512x512xf32>
      %logistic3A_25 = arith.divf %logistic3A_23, %logistic3A_24 : vector<512x512xf32>
      %mul3A = arith.mulf %dot_general3A_18, %logistic3A_25 : vector<512x512xf32>
      %mul3A_26 = arith.mulf %mul3A, %dot_general3A_20 : vector<512x512xf32>
      %convert_element_type3A_27 = arith.truncf %mul3A_26 : vector<512x512xf32> to vector<512x512xbf16>
      %get3A_28 = arith.constant 0 : index
      %get3A_29 = arith.constant 0 : index
      %get3A_30 = arith.constant 0 : index
      %get3A_31 = vector.load %arg7[%get3A_28, %get3A_29, %get3A_30] : memref<1x2048x512xf32, #tpu.memory_space<vmem>>, vector<1x2048x512xf32>
      %get3A_32 = vector.shape_cast %get3A_31 : vector<1x2048x512xf32> to vector<2048x512xf32>
      %convert_element_type3A_33 = arith.truncf %get3A_32 : vector<2048x512xf32> to vector<2048x512xbf16>
      %dot_general3A_34 = arith.constant dense<0.000000e+00> : vector<512x2048xf32>
      %dot_general3A_35 = tpu.matmul %convert_element_type3A_27, %convert_element_type3A_33, %dot_general3A_34 {dimension_numbers = #tpu.dot_dimension_numbers<[1], [1], [0], [0], [0, 0, 1, 0], [], []>, transpose_lhs_hint = false} : vector<512x512xbf16>, vector<2048x512xbf16>, vector<512x2048xf32> -> vector<512x2048xf32>
      %eq3A_36 = arith.constant 0 : i32
      %eq3A_37 = arith.cmpi eq, %arg1, %eq3A_36 : i32
      %convert_element_type3A_38 = arith.extui %eq3A_37 : i1 to i32
      %cond3A_39 = arith.constant 0 : i32
      %cond3A_40 = arith.cmpi ne, %convert_element_type3A_38, %cond3A_39 : i32
      scf.if %cond3A_40 {
        %swap3A = arith.constant 0 : index
        %swap3A_50 = arith.constant 0 : index
        %swap3A_51 = vector.load %arg9[%swap3A, %swap3A_50] : memref<512x2048xf32, #tpu.memory_space<vmem>>, vector<512x2048xf32>
        tpu.vector_store %arg9[%swap3A, %swap3A_50], %dot_general3A_35 {strides = array<i32>} : memref<512x2048xf32, #tpu.memory_space<vmem>>, vector<512x2048xf32>,
      } else {
      }
      %ne3A = arith.constant 0 : i32
      %ne3A_41 = arith.cmpi ne, %arg1, %ne3A : i32
      %convert_element_type3A_42 = arith.extui %ne3A_41 : i1 to i32
      %cond3A_43 = arith.constant 0 : i32
      %cond3A_44 = arith.cmpi ne, %convert_element_type3A_42, %cond3A_43 : i32
      scf.if %cond3A_44 {
        %get3A_50 = arith.constant 0 : index
        %get3A_51 = arith.constant 0 : index
        %get3A_52 = vector.load %arg9[%get3A_50, %get3A_51] : memref<512x2048xf32, #tpu.memory_space<vmem>>, vector<512x2048xf32>
        %add3A = arith.addf %get3A_52, %dot_general3A_35 : vector<512x2048xf32>
        %swap3A = arith.constant 0 : index
        %swap3A_53 = arith.constant 0 : index
        %swap3A_54 = vector.load %arg9[%swap3A, %swap3A_53] : memref<512x2048xf32, #tpu.memory_space<vmem>>, vector<512x2048xf32>
        tpu.vector_store %arg9[%swap3A, %swap3A_53], %add3A {strides = array<i32>} : memref<512x2048xf32, #tpu.memory_space<vmem>>, vector<512x2048xf32>,
      } else {
      }
      %eq3A_45 = arith.constant 7 : i32
      %eq3A_46 = arith.cmpi eq, %arg1, %eq3A_45 : i32
      %convert_element_type3A_47 = arith.extui %eq3A_46 : i1 to i32
      %cond3A_48 = arith.constant 0 : i32
      %cond3A_49 = arith.cmpi ne, %convert_element_type3A_47, %cond3A_48 : i32
      scf.if %cond3A_49 {
        %get3A_50 = arith.constant 0 : index
        %get3A_51 = arith.constant 0 : index
        %get3A_52 = vector.load %arg9[%get3A_50, %get3A_51] : memref<512x2048xf32, #tpu.memory_space<vmem>>, vector<512x2048xf32>
        %get3A_53 = arith.constant 0 : index
        %get3A_54 = arith.constant 0 : index
        %get3A_55 = vector.load %arg8[%get3A_53, %get3A_54] : memref<512x1xf32, #tpu.memory_space<vmem>>, vector<512x1xf32>
        %mul3A_56 = vector.broadcast %get3A_55 : vector<512x1xf32> to vector<512x2048xf32>
        %mul3A_57 = arith.mulf %get3A_52, %mul3A_56 : vector<512x2048xf32>
        %swap3A = arith.constant 0 : index
        %swap3A_58 = arith.constant 0 : index
        %swap3A_59 = vector.load %arg9[%swap3A, %swap3A_58] : memref<512x2048xf32, #tpu.memory_space<vmem>>, vector<512x2048xf32>
        tpu.vector_store %arg9[%swap3A, %swap3A_58], %mul3A_57 {strides = array<i32>} : memref<512x2048xf32, #tpu.memory_space<vmem>>, vector<512x2048xf32>,
      } else {
      }
    } else {
    }
    return
  }
  func.func @transform_0(%arg0: i32, %arg1: i32, %arg2: memref<16xi32, #tpu.memory_space<smem>>, %arg3: memref<16xi32, #tpu.memory_space<smem>>) -> (i32, i32) {
    %c0_i32 = arith.constant 0 : i32
    %c0_i32_0 = arith.constant 0 : i32
    return %arg0, %c0_i32 : i32, i32
  }
  func.func @transform_1(%arg0: i32, %arg1: i32, %arg2: memref<16xi32, #tpu.memory_space<smem>>, %arg3: memref<16xi32, #tpu.memory_space<smem>>) -> (i32, i32, i32) {
    %get3A = arith.index_cast %arg0 : i32 to index
    %get3A_0 = memref.load %arg2[%get3A] : memref<16xi32, #tpu.memory_space<smem>>
    %get3A_1 = arith.index_cast %arg0 : i32 to index
    %get3A_2 = memref.load %arg3[%get3A_1] : memref<16xi32, #tpu.memory_space<smem>>
    %mul3A = arith.muli %arg1, %get3A_2 : i32
    %sub3A = arith.constant 1 : i32
    %sub3A_3 = arith.subi %sub3A, %get3A_2 : i32
    %mul3A_4 = arith.constant 7 : i32
    %mul3A_5 = arith.muli %mul3A_4, %sub3A_3 : i32
    %add3A = arith.addi %mul3A, %mul3A_5 : i32
    %c0_i32 = arith.constant 0 : i32
    %c0_i32_6 = arith.constant 0 : i32
    return %get3A_0, %add3A, %c0_i32 : i32, i32, i32
  }
  func.func @transform_2(%arg0: i32, %arg1: i32, %arg2: memref<16xi32, #tpu.memory_space<smem>>, %arg3: memref<16xi32, #tpu.memory_space<smem>>) -> (i32, i32, i32) {
    %get3A = arith.index_cast %arg0 : i32 to index
    %get3A_0 = memref.load %arg2[%get3A] : memref<16xi32, #tpu.memory_space<smem>>
    %get3A_1 = arith.index_cast %arg0 : i32 to index
    %get3A_2 = memref.load %arg3[%get3A_1] : memref<16xi32, #tpu.memory_space<smem>>
    %mul3A = arith.muli %arg1, %get3A_2 : i32
    %sub3A = arith.constant 1 : i32
    %sub3A_3 = arith.subi %sub3A, %get3A_2 : i32
    %mul3A_4 = arith.constant 7 : i32
    %mul3A_5 = arith.muli %mul3A_4, %sub3A_3 : i32
    %add3A = arith.addi %mul3A, %mul3A_5 : i32
    %c0_i32 = arith.constant 0 : i32
    %c0_i32_6 = arith.constant 0 : i32
    return %get3A_0, %add3A, %c0_i32 : i32, i32, i32
  }
  func.func @transform_3(%arg0: i32, %arg1: i32, %arg2: memref<16xi32, #tpu.memory_space<smem>>, %arg3: memref<16xi32, #tpu.memory_space<smem>>) -> (i32, i32, i32) {
    %get3A = arith.index_cast %arg0 : i32 to index
    %get3A_0 = memref.load %arg2[%get3A] : memref<16xi32, #tpu.memory_space<smem>>
    %get3A_1 = arith.index_cast %arg0 : i32 to index
    %get3A_2 = memref.load %arg3[%get3A_1] : memref<16xi32, #tpu.memory_space<smem>>
    %mul3A = arith.muli %arg1, %get3A_2 : i32
    %sub3A = arith.constant 1 : i32
    %sub3A_3 = arith.subi %sub3A, %get3A_2 : i32
    %mul3A_4 = arith.constant 7 : i32
    %mul3A_5 = arith.muli %mul3A_4, %sub3A_3 : i32
    %add3A = arith.addi %mul3A, %mul3A_5 : i32
    %c0_i32 = arith.constant 0 : i32
    %c0_i32_6 = arith.constant 0 : i32
    return %get3A_0, %c0_i32, %add3A : i32, i32, i32
  }
  func.func @transform_4(%arg0: i32, %arg1: i32, %arg2: memref<16xi32, #tpu.memory_space<smem>>, %arg3: memref<16xi32, #tpu.memory_space<smem>>) -> (i32, i32) {
    %c0_i32 = arith.constant 0 : i32
    %c0_i32_0 = arith.constant 0 : i32
    return %arg0, %c0_i32 : i32, i32
  }
  func.func @transform_5(%arg0: i32, %arg1: i32, %arg2: memref<16xi32, #tpu.memory_space<smem>>, %arg3: memref<16xi32, #tpu.memory_space<smem>>) -> (i32, i32) {
    %c0_i32 = arith.constant 0 : i32
    %c0_i32_0 = arith.constant 0 : i32
    return %arg0, %c0_i32 : i32, i32
  }
}

</mosaic_0001>

<sc_bundles>
// kernel: gather_offload_async_start.1
scs
__scs_entry_jumppad:
0x0: {  	(pc) =	sbr.rel $0x88, $3  }
0x1: {  	(tag) =	ssettag $0x0;
	lr =	simm.s32 $0x1  }
0x2: {  	[smem:$0x3F9C] =	sst lr;
	_ =	strace $0xD0000000  }
0x3: {  	_ = 	snop  }
0x4: {  	_ = 	snop  }
0x5: {  	_ = 	snop  }
0x6: {  	_ = 	snop  }
0x7: {  	_ = 	snop  }
__scs_overlays_trampoline_lowered:
0x8: {  	[smem:$0x3FAB] =	sst s0  }
0x9: {  	[smem:$0x3FAC] =	sst s1  }
0xa: {  	[smem:$0x3FAD] =	sst s2  }
0xb: {  	[smem:$0x3FAE] =	sst s3  }
0xc: {  	[smem:$0x3FAF] =	sst s4  }
0xd: {  	[smem:$0x3FB0] =	sst s5  }
0xe: {  	[smem:$0x3FB1] =	sst s6  }
0xf: {  	[smem:$0x3FB2] =	sst s7  }
0x10: {  	[smem:$0x3FB3] =	sst s8  }
0x11: {  	[smem:$0x3FB4] =	sst s9;
	s0 =	simm.s32 @!p0 $0x0  }
0x12: {  	s1 =	sld [smem:$0x3F9A];
	s0 =	simm.s32 @p0 $0x1  }
0x13: {  	[smem:$0x3FB5] =	sst s0;
	s0 =	simm.s32 @!p1 $0x0  }
0x14: {  	s2 =	sld [smem:$0x3F99];
	s0 =	simm.s32 @p1 $0x1  }
0x15: {  	[smem:$0x3FB6] =	sst s0;
	s0 =	simm.s32 @!p2 $0x0  }
0x16: {  	s3 =	sld [smem:$0x3FDB];
	s0 =	simm.s32 @p2 $0x1  }
0x17: {  	s4 =	simm.s32 $0x1BF5;
	[smem:$0x3FB8] =	sst s0  }
0x18: {  	s0 =	sld [smem:$0x3F9B];
	_ =	swait.ge [sflag:s4], $0x0  }
0x19: {  	s7 =	sld [smem:$0x3F9C]  }
0x1a: {  	s8 =	sadd.s32 $0xFFFFE003, lr  }
0x1b: {  	s9 =	sadd.s32 $0xFFFFFEF7, lr;
	s5 =	simm.s32 $0xFFFFFFFF;
	p2 =	slt.u32 s8, $0xFFFFF086  }
0x1c: {  	p1 =	slt.u32 s9, $0xF7A;
	s5 =	simm.s32 @!p2 $0x0  }
0x1d: {  	s5 =	simm.s32 @p1 $0x1;
	p0 =	seq.s32 s7, s2  }
0x1e: {  	s7 =	smul.u32 @!p0 $0xF7A, s2;
	p2 =	seq.s32 @!p0 s5, $0x0  }
0x1f: {  	s9 =	smul.u32 $0xF7A, s1;
	s8 =	simm.s32 @!p0 $0x1BF5;
	p2 =	por !p2, p0  }
0x20: {  	[sflag:s8] =	ssyncset.s32 @!p0 $0xFFFFF086;
	s6 =	sadd.s32 @!p0 s3, s7;
	s7 =	simm.s32 @!p0 $0x108  }
0x21: {  	s3 =	sadd.s32 s3, s9;
	s6 =	sadd.s32 @!p0 $0x88, s6;
	s7 =	simm.s32 @p2 $0x1082  }
0x22: {  	[simem:s7], [sflag:s8] =	dma.local @!p0 [hbm:s6], $0xF7A  }
0x23: {  	s9 =	sor.u32 $0xD0000000, s2;
	s6 =	simm.s32 $0x108;
	_ =	swait.ge @!p0 [sflag:s8], $0x0  }
0x24: {  	s3 =	sadd.s32 $0x88, s3;
	s6 =	simm.s32 @!p1 $0x1082;
	[sflag:s4] =	ssyncset.s32 $0xFFFFF086  }
0x25: {  	[simem:s6], [sflag:s4] =	dma.local [hbm:s3], $0xF7A  }
0x26: {  	[smem:$0x3F9C] =	sst s1;
	(tag) =	ssettag s2;
	_ =	strace s9  }
0x27: {  	s1 =	sld [smem:$0x3FAC]  }
0x28: {  	s2 =	sld [smem:$0x3FAD]  }
0x29: {  	s4 =	sld [smem:$0x3FAF]  }
0x2a: {  	p0 =	seq.s32 s5, $0x0;
	s5 =	sld [smem:$0x3FB0]  }
0x2b: {  	s6 =	sld [smem:$0x3FB1]  }
0x2c: {  	s7 =	sld [smem:$0x3FB2]  }
0x2d: {  	s3 =	simm.s32 $0x108;
	s8 =	sld [smem:$0x3FB3]  }
0x2e: {  	s3 =	simm.s32 @!p0 $0x1082;
	s9 =	sld [smem:$0x3FB4]  }
0x2f: {  	lr =	sadd.s32 s0, s3;
	s0 =	sld [smem:$0x3FAB]  }
0x30: {  	s3 =	sld [smem:$0x3FAE]  }
0x31: {  	[smem:$0x3FB7] =	sst s10  }
0x32: {  	s10 =	sld [smem:$0x3FB5];
	_ =	sdelay $0x3  }
0x33: {  	p0 =	seq.s32 s10, $0x1;
	s10 =	sld [smem:$0x3FB7];
	_ =	sdelay $0x3  }
0x34: {  	[smem:$0x3FB7] =	sst s10  }
0x35: {  	s10 =	sld [smem:$0x3FB6];
	_ =	sdelay $0x3  }
0x36: {  	p1 =	seq.s32 s10, $0x1;
	s10 =	sld [smem:$0x3FB7];
	_ =	sdelay $0x3  }
0x37: {  	[smem:$0x3FB7] =	sst s10  }
0x38: {  	s10 =	sld [smem:$0x3FB8]  }
0x39: {  	_ = 	snop;
	(pc) =	sbr.ind lr, $3  }
0x3a: {  	_ = 	snop  }
0x3b: {  	_ = 	snop  }
0x3c: {  	p2 =	seq.s32 s10, $0x1;
	s10 =	sld [smem:$0x3FB7]  }
0x3d: {  	_ =	shalt  }
0x3e: {  	_ =	shalt  }
0x3f: {  	_ =	shalt  }
0x40: {  	_ =	shalt  }
0x41: {  	_ =	shalt  }
0x42: {  	_ =	shalt  }
0x43: {  	_ =	shalt  }
0x44: {  	_ =	shalt  }
0x45: {  	_ =	shalt  }
0x46: {  	_ =	shalt  }
0x47: {  	_ =	shalt  }
0x48: {  	_ =	shalt  }
0x49: {  	_ =	shalt  }
0x4a: {  	_ =	shalt  }
0x4b: {  	_ =	shalt  }
0x4c: {  	_ =	shalt  }
0x4d: {  	_ =	shalt  }
0x4e: {  	_ =	shalt  }
0x4f: {  	_ =	shalt  }
0x50: {  	_ =	shalt  }
0x51: {  	_ =	shalt  }
0x52: {  	_ =	shalt  }
0x53: {  	_ =	shalt  }
0x54: {  	_ =	shalt  }
0x55: {  	_ =	shalt  }
0x56: {  	_ =	shalt  }
0x57: {  	_ =	shalt  }
0x58: {  	_ =	shalt  }
0x59: {  	_ =	shalt  }
0x5a: {  	_ =	shalt  }
0x5b: {  	_ =	shalt  }
0x5c: {  	_ =	shalt  }
0x5d: {  	_ =	shalt  }
0x5e: {  	_ =	shalt  }
0x5f: {  	_ =	shalt  }
0x60: {  	_ =	shalt  }
0x61: {  	_ =	shalt  }
0x62: {  	_ =	shalt  }
0x63: {  	_ =	shalt  }
0x64: {  	_ =	shalt  }
0x65: {  	_ =	shalt  }
0x66: {  	_ =	shalt  }
0x67: {  	_ =	shalt  }
0x68: {  	_ =	shalt  }
0x69: {  	_ =	shalt  }
0x6a: {  	_ =	shalt  }
0x6b: {  	_ =	shalt  }
0x6c: {  	_ =	shalt  }
0x6d: {  	_ =	shalt  }
0x6e: {  	_ =	shalt  }
0x6f: {  	_ =	shalt  }
0x70: {  	_ =	shalt  }
0x71: {  	_ =	shalt  }
0x72: {  	_ =	shalt  }
0x73: {  	_ =	shalt  }
0x74: {  	_ =	shalt  }
0x75: {  	_ =	shalt  }
0x76: {  	_ =	shalt  }
0x77: {  	_ =	shalt  }
0x78: {  	_ =	shalt  }
0x79: {  	_ =	shalt  }
0x7a: {  	_ =	shalt  }
0x7b: {  	_ =	shalt  }
0x7c: {  	_ =	shalt  }
0x7d: {  	_ =	shalt  }
0x7e: {  	_ =	shalt  }
0x7f: {  	_ =	shalt  }
0x80: {  	_ =	shalt  }
0x81: {  	_ =	shalt  }
0x82: {  	_ =	shalt  }
0x83: {  	_ =	shalt  }
0x84: {  	_ =	shalt  }
0x85: {  	_ =	shalt  }
0x86: {  	_ =	shalt  }
0x87: {  	_ =	shalt  }
.Lfunc_end0:
.L_simem_size_0:
called_computation.1_lowered:
.L_overlay_start_0:
0x88: {  	s2 =	sld [smem:$0x3FD9]  }
0x89: {  	s3 =	sld [smem:$0x3FFE];
	_ =	sdelay $0x1  }
0x8a: {  	s1 =	srdreg.scid  }
0x8b: {  	s0 =	sand.u32 $0x1, s1  }
0x8c: {  	s16 =	sshll.u32 s0, $0xA;
	s2 =	sadd.s32 s3, s2  }
0x8d: {  	s2 =	sadd.s32 s2, s16  }
0x8e: {  	[smem:$0x3FC3] =	sst s2  }
0x8f: {  	_ = 	snop  }
0x90: {  	(tm) =	ssettm $0x1  }
0x91: {  	s17 =	sld [smem:$0x3FFB];
	_ =	sdelay $0x3  }
0x92: {  	_ =	strace s17  }
0x93: {  	s2 =	sld [smem:$0x3FFC];
	_ =	sdelay $0x3  }
0x94: {  	_ =	strace s2  }
0x95: {  	s2 =	sld [smem:$0x3FFD];
	_ =	sdelay $0x3  }
0x96: {  	_ =	strace s2  }
0x97: {  	_ =	strace $0x8FFFFFFF  }
0x98: {  	s18 =	sld [smem:$0x3FDB];
	_ =	sdelay $0x1  }
0x99: {  	s19 =	simm.s32 $_scs_section_size  }
0x9a: {  	s4 =	simm.s32 $_size__tile_overlayer_lowered;
	s5 =	simm.s32 $_tile_overlayer_lowered  }
0x9b: {  	s22 =	simm.s32 $0x1BFF;
	s21 =	sshll.u32 s5, $0x1;
	s2 =	sadd.s32 s19, s18  }
0x9c: {  	s6 =	simm.s32 $0x0;
	s20 =	sshll.u32 s4, $0x1;
	s4 =	sadd.s32 s21, s2  }
0x9d: {  	[timem:s6], [sflag:s22] =	dma.local [hbm:s4], s20  }
0x9e: {  	_ =	swait.ge [sflag:s22], s20  }
0x9f: {  	s3 =	ssub.s32 $0x0, s20;
	[sflag:s22] =	ssyncset.done $0x0  }
0xa0: {  	[sflag:s22] =	ssyncadd.s32 s3;
	_ =	sdelay $0x1  }
0xa1: {  	s23 =	simm.s32 $0x1B8B  }
0xa2: {  	_ =	swait.ge [sflag:s23], $0x1  }
0xa3: {  	[sflag:s23] =	ssyncset.done $0x0  }
0xa4: {  	s25 =	simm.s32 $0x1B8E;
	s24 =	sld [smem:$0x3FFE];
	[sflag:s23] =	ssyncadd.s32 $0xFFFFFFFF  }
0xa5: {  	s26 =	simm.s32 $execute0_lowered;
	[smem:$0x3FD2] =	sst s25  }
0xa6: {  	s4 =	sshll.u32 s26, $0x1;
	_ =	strace $0x80000049;
	[dreg:$0x1] =	wrdreg $0xFFFFFFFF  }
0xa7: {  	s28 =	simm.s32 $_size_execute0_lowered;
	s2 =	sadd.s32 s2, s4;
	[dreg:$0x0] =	wrdreg $0x0  }
0xa8: {  	s4 =	sshll.u32 s28, $0x1;
	[dreg:$0x2] =	wrdreg s2  }
0xa9: {  	[dreg:$0x3] =	wrdreg s4  }
0xaa: {  	[dreg:$0x4] =	wrdreg $0xC0  }
0xab: {  	_ =	task [dreg:s6], $0x5FFFF  }
0xac: {  	[dreg:$0x1] =	wrdreg $0xFFFFFFFF  }
0xad: {  	[dreg:$0x0] =	wrdreg $0x60  }
0xae: {  	[dreg:$0x2] =	wrdreg s24  }
0xaf: {  	[dreg:$0x3] =	wrdreg $0x9  }
0xb0: {  	_ =	task.clear_ibuf [dreg:s6], $0x4FFFF;
	_ =	strace $0x90000049  }
0xb1: {  	s29 =	simm.s32 $0x9;
	_ =	strace $0x8000004B  }
0xb2: {  	_ =	swait.ge [sflag:s29], $0x1  }
0xb3: {  	[sflag:s29] =	ssyncadd.s32 $0xFFFFFFFF  }
0xb4: {  	_ =	strace $0x9000004B  }
0xb5: {  	_ =	sfence  }
0xb6: {  	s30 =	sld [smem:$0x0];
	_ =	sdelay $0x2  }
0xb7: {  	s31 =	sshll.u32 s1, $0xD;
	s1 =	sshrl.u32 s1, $0x2  }
0xb8: {  	s3 =	sand.u32 $0x4000, s31;
	s1 =	sadd.s32 s1, s30  }
0xb9: {  	s0 =	sor.u32 s3, s0;
	s1 =	sshll.u32 s1, $0x11  }
0xba: {  	s0 =	sor.u32 s1, s0  }
0xbb: {  	s0 =	sadd.s32 $0x8F2B, s0  }
0xbc: {  	[sflag:s0] =	ssyncadd.remote.s32 $0x1  }
0xbd: {  	_ =	sfence.sel $0xFFFF  }
0xbe: {  	[dreg:$0x0] =	wrdreg $0xFFFFFFFF;
	(pc) =	sbr.abs _section_cstart, $3  }
0xbf: {  	[dreg:$0x1] =	wrdreg $0xFFFFFFFF  }
0xc0: {  	_ =	task.clear_ibuf [dreg:s6], $0x2FFFF;
	_ =	strace $0x9FFFFFFF  }
0xc1: {  	(tm) =	ssettm $0x7FFFFFFF  }
tec
execute0_lowered:
.L_overlay_start_1:
0x0: {  	(tag) =	ssettag $0x1  }
0x1: {  	s7 =	rddreg [dreg:$0x0]  }
0x2: {  	s0 =	rddreg [dreg:$0x1];
	_ =	strace $0x8000004A  }
0x3: {  	s1 =	srdreg.scid;
	s4 =	simm.s32 $0x1;
	s9 =	simm.s32 $0x3  }
0x4: {  	s11 =	simm.s32 $0x0;
	p0 =	por $0x0, $0x0;
	s5 =	sshll.u32 s1, $0x4  }
.Ltmp0:
0x5: {  	s1 =	stileid.u32;
	s5 =	sand.u32 $0x10, s5;
	(pc) =	sbr.rel .LBB2_1-.Ltmp0, $4  }
0x6: {  	s2 =	sadd.s32 $0x101A00, s7;
	s3 =	sadd.s32 $0x800, s7;
	s6 =	sor.u32 s1, s5  }
0x7: {  	[sflag:s4] =	ssyncpa.u1 $0x0;
	s5 =	simm.s32 $0x2;
	s6 =	sshll.u32 s6, $0x6  }
0x8: {  	s7 =	sadd.s32 $0xA00, s7;
	[sflag:s5] =	ssyncpa.u1 $0x0;
	s8 =	sadd.s32 $0x40, s6  }
0x9: {  	vm0 =	vmmov $0xff;
	vm1 =	vcmask $0x3F20;
	[sflag:s9] =	ssyncpa.u1 $0x0;
	s10 =	smov.u32 s6;
	s9 =	simm.s32 $0x0  }
.LBB2_5:
0xa: {  	p1 =	slt.u32 s9, $0x2;
	s11 =	sadd.s32 $0x10, s10  }
0xb: {  	s13 =	smov.u32 s6;
	s9 =	sadd.s32 $0x1, s9;
	p2 =	slt.s32 s11, s8  }
0xc: {  	s13 =	smov.u32 @p2 s11;
	p2 =	sne.s32 s9, $0x6  }
.Ltmp1:
0xd: {  	_ = 	snop;
	(pc) =	sbr.rel @!p2 .LBB2_6-.Ltmp1, $4  }
0xe: {  	s12 =	simm.s32 @!p1 $0x3  }
0xf: {  	_ =	swait.ge @!p1 [sflag:s12], $0x8000  }
0x10: {  	p0 =	por !p0, !p0;
	[sflag:s12] =	ssyncset.done @!p1 $0x0  }
0x11: {  	s11 =	smov.u32 s10;
	s10 =	smov.u32 s13;
	[sflag:s12] =	ssyncadd.s32 @!p1 $0xFFFF8000  }
.LBB2_1:
0x12: {  	p1 =	sgt.u32 s9, $0x3  }
0x13: {  	s12 =	sxor.u32 @!p1 $0xFFFFFFFF, s9  }
0x14: {  	s13 =	sshrl.u32 @!p1 s10, $0x3;
	s12 =	sshll.u32 @!p1 s12, $0x4  }
0x15: {  	s14 =	sand.u32 @!p1 $0x7, s10;
	s13 =	sadd.s32 @!p1 s3, s13;
	s12 =	sand.u32 @!p1 $0x10, s12  }
0x16: {  	[tilespmem:s12], [sflag:$0x2] =	stream.linear.gather @!p1 [hbm4b:s13+s14], $0x10, $0x38;
	[tilespmem:$0x10020] =	vst v63  }
0x17: {  	p1 =	seq.s32 s9, $0x0  }
0x18: {  	p2 =	seq.s32 @!p1 s9, $0x5  }
0x19: {  	p1 =	por p1, p2  }
.Ltmp2:
0x1a: {  	_ = 	snop;
	(pc) =	sbr.rel @p1 .LBB2_5-.Ltmp2, $1  }
0x1b: {  	_ =	sdelay $0x3  }
0x1c: {  	_ =	swait.ge [sflag:s5], $0x10  }
0x1d: {  	s12 =	sand.u32 $0x1, s9;
	[sflag:s5] =	ssyncset.done $0x0  }
0x1e: {  	s13 =	sshll.u32 s12, $0x4;
	[sflag:s5] =	ssyncadd.s32 $0xFFFFFFF0  }
0x1f: {  	v0 =	vld.msk [tilespmem:s13+$0x0 ss:$0x1], $0xffff;
	_ =	sdelay $0x4  }
0x20: {  	vm2 =	vgt.s32 v0, $0x0  }
0x21: {  	v0 =	vnsel vm2, $0x0, v0  }
0x22: {  	v0 =	vmin.u32 v0, $0x1FFF  }
0x23: {  	v1 =	vshll.u32 v0, $0x8;
	v0 =	vshll.u32 v0, $0x4  }
0x24: {  	v1 =	vand.u32 $0x1FF800, v1;
	v0 =	vand.u32 $0x70, v0  }
0x25: {  	s13 =	simm.s32 $0x1;
	v0 =	vor.u32 v0, v1  }
0x26: {  	s13 =	simm.s32 @!p0 $0x0  }
0x27: {  	s13 =	sshll.u32 s13, $0xF  }
0x28: {  	s14 =	sor.u32 $0x20, s13  }
0x29: {  	s12 =	sshll.u32 s12, $0xF;
	s16 =	sadd.s32 $0x0, s14  }
0x2a: {  	[tilespmem:s16], [sflag:$0x1] =	stream.indirect_vreg.gather [hbm:s2], $0x80, v0, vm0, $0x38;
	[tilespmem:$0x10020] =	vst v63  }
0x2b: {  	s15 =	simm.s32 $0x1000;
	s13 =	sor.u32 $0x20, s12;
	v1 =	vadd.s32 $0x80, v0;
	s16 =	sadd.s32 $0x4000, s16  }
.LBB2_3:
0x2c: {  	[tilespmem:s16], [sflag:$0x1] =	stream.indirect_vreg.gather [hbm:s2], $0x80, v0, vm1, $0x38;
	[tilespmem:$0x10020] =	vst v63  }
0x2d: {  	v0 =	vmov v1;
	s16 =	smov.u32 s15;
	p1 =	sne.s32 s15, $0xF000  }
.Ltmp3:
0x2e: {  	s15 =	sadd.s32 $0x1000, s15;
	(pc) =	sbr.rel @p1 .LBB2_3-.Ltmp3, $4  }
0x2f: {  	s16 =	sshra.s32 s16, $0x2  }
0x30: {  	s16 =	sadd.s32 s16, s14  }
0x31: {  	[tilespmem:s16], [sflag:$0x1] =	stream.indirect_vreg.gather [hbm:s2], $0x80, v1, vm0, $0x38;
	[tilespmem:$0x10020] =	vst v63  }
0x32: {  	s16 =	sadd.s32 $0x4000, s16;
	v1 =	vadd.s32 $0x80, v1  }
0x33: {  	_ =	sdelay $0x3  }
0x34: {  	[tilespmem:s16], [sflag:$0x1] =	stream.indirect_vreg.gather [hbm:s2], $0x80, v0, vm1, $0x38;
	[tilespmem:$0x10020] =	vst v63  }
0x35: {  	s14 =	sshll.u32 s11, $0x4;
	s31 =	sshll.u32 s11, $0x8  }
0x36: {  	_ =	swait.ge [sflag:s4], $0x8000;
	s14 =	sand.u32 $0x70, s14;
	s11 =	sand.u32 $0xFFFFF800, s31  }
.Ltmp4:
0x37: {  	[sflag:s4] =	ssyncset.done $0x0;
	s14 =	sadd.s32 s7, s14;
	(pc) =	sbr.rel .LBB2_5-.Ltmp4, $4  }
0x38: {  	[sflag:s4] =	ssyncadd.s32 $0xFFFF8000;
	s11 =	sadd.s32 s11, s14  }
0x39: {  	[hbm:s11] =	stream.linear.scatter [tilespmem:s13], [sflag:$0x3], $0x4000, $0x38;
	[tilespmem:$0x10020] =	vst v63  }
0x3a: {  	s12 =	sadd.s32 $0x4020, s12;
	s11 =	sadd.s32 $0x800, s11  }
0x3b: {  	[hbm:s11] =	stream.linear.scatter [tilespmem:s12], [sflag:$0x3], $0x4000, $0x38;
	[tilespmem:$0x10020] =	vst v63  }
.LBB2_6:
0x3c: {  	_ =	sfence.sel $0x180000  }
0x3d: {  	s2 =	simm.s32 $0x2;
	[bflag:$0x0] =	sbarrier.arrive $0xFFFF  }
0x3e: {  	s30 =	simm.s32 $0x3;
	[sflag:s2] =	ssyncpa.u1 $0x1  }
0x3f: {  	s31 =	simm.s32 $0x1;
	[sflag:s30] =	ssyncpa.u1 $0x1  }
0x40: {  	[sflag:s31] =	ssyncpa.u1 $0x1  }
0x41: {  	p0 =	sne.s32 s1, $0x0;
	_ =	strace $0x9000004A  }
0x42: {  	s0 =	sadd.s32 @!p0 $0x100000, s0;
	[bflag:$0x2] =	sbarrier.arrive $0xFFFF  }
0x43: {  	[sflag:s0] =	ssyncadd.tile.s32 @!p0 $0x1;
	_ =	shalt  }
.Lfunc_end2:
_tile_overlayer_lowered:
.L_overlay_start_2:
0x44: {  	(tag) =	ssettag $0x2  }
0x45: {  	s0 =	rddreg [dreg:$0x0];
	s2 =	stileid.u32  }
0x46: {  	s1 =	rddreg [dreg:$0x1];
	p0 =	sne.s32 s2, $0x0  }
0x47: {  	s3 =	rddreg [dreg:$0x2];
	[bflag:$0x3] =	sbarrier.arrive $0xFFFF;
	s2 =	simm.s32 @!p0 $0x1C01  }
0x48: {  	[timem:s3], [sflag:s2] =	dma.local @!p0 [hbm:s0], s1  }
0x49: {  	s0 =	simm.s32 @!p0 $0x1  }
0x4a: {  	_ =	swait.ge @!p0 [sflag:s0], s1  }
0x4b: {  	s1 =	ssub.s32 @!p0 $0x0, s1;
	[sflag:s0] =	ssyncset.done @!p0 $0x0  }
0x4c: {  	[sflag:s0] =	ssyncadd.s32 @!p0 s1  }
0x4d: {  	[bflag:$0x3] =	sbarrier.arrive $0xFFFF  }
0x4e: {  	_ =	shalt  }

// kernel: gather_offload_async_start.2
scs
__scs_entry_jumppad:
0x0: {  	(pc) =	sbr.rel $0x88, $3  }
0x1: {  	(tag) =	ssettag $0x0;
	lr =	simm.s32 $0x1  }
0x2: {  	[smem:$0x3F9C] =	sst lr;
	_ =	strace $0xD0000000  }
0x3: {  	_ = 	snop  }
0x4: {  	_ = 	snop  }
0x5: {  	_ = 	snop  }
0x6: {  	_ = 	snop  }
0x7: {  	_ = 	snop  }
__scs_overlays_trampoline_lowered:
0x8: {  	[smem:$0x3FAB] =	sst s0  }
0x9: {  	[smem:$0x3FAC] =	sst s1  }
0xa: {  	[smem:$0x3FAD] =	sst s2  }
0xb: {  	[smem:$0x3FAE] =	sst s3  }
0xc: {  	[smem:$0x3FAF] =	sst s4  }
0xd: {  	[smem:$0x3FB0] =	sst s5  }
0xe: {  	[smem:$0x3FB1] =	sst s6  }
0xf: {  	[smem:$0x3FB2] =	sst s7  }
0x10: {  	[smem:$0x3FB3] =	sst s8  }
0x11: {  	[smem:$0x3FB4] =	sst s9;
	s0 =	simm.s32 @!p0 $0x0  }
0x12: {  	s1 =	sld [smem:$0x3F9A];
	s0 =	simm.s32 @p0 $0x1  }
0x13: {  	[smem:$0x3FB5] =	sst s0;
	s0 =	simm.s32 @!p1 $0x0  }
0x14: {  	s2 =	sld [smem:$0x3F99];
	s0 =	simm.s32 @p1 $0x1  }
0x15: {  	[smem:$0x3FB6] =	sst s0;
	s0 =	simm.s32 @!p2 $0x0  }
0x16: {  	s3 =	sld [smem:$0x3FDB];
	s0 =	simm.s32 @p2 $0x1  }
0x17: {  	s4 =	simm.s32 $0x1BF5;
	[smem:$0x3FB8] =	sst s0  }
0x18: {  	s0 =	sld [smem:$0x3F9B];
	_ =	swait.ge [sflag:s4], $0x0  }
0x19: {  	s7 =	sld [smem:$0x3F9C]  }
0x1a: {  	s8 =	sadd.s32 $0xFFFFE003, lr  }
0x1b: {  	s9 =	sadd.s32 $0xFFFFFEF7, lr;
	s5 =	simm.s32 $0xFFFFFFFF;
	p2 =	slt.u32 s8, $0xFFFFF086  }
0x1c: {  	p1 =	slt.u32 s9, $0xF7A;
	s5 =	simm.s32 @!p2 $0x0  }
0x1d: {  	s5 =	simm.s32 @p1 $0x1;
	p0 =	seq.s32 s7, s2  }
0x1e: {  	s7 =	smul.u32 @!p0 $0xF7A, s2;
	p2 =	seq.s32 @!p0 s5, $0x0  }
0x1f: {  	s9 =	smul.u32 $0xF7A, s1;
	s8 =	simm.s32 @!p0 $0x1BF5;
	p2 =	por !p2, p0  }
0x20: {  	[sflag:s8] =	ssyncset.s32 @!p0 $0xFFFFF086;
	s6 =	sadd.s32 @!p0 s3, s7;
	s7 =	simm.s32 @!p0 $0x108  }
0x21: {  	s3 =	sadd.s32 s3, s9;
	s6 =	sadd.s32 @!p0 $0x88, s6;
	s7 =	simm.s32 @p2 $0x1082  }
0x22: {  	[simem:s7], [sflag:s8] =	dma.local @!p0 [hbm:s6], $0xF7A  }
0x23: {  	s9 =	sor.u32 $0xD0000000, s2;
	s6 =	simm.s32 $0x108;
	_ =	swait.ge @!p0 [sflag:s8], $0x0  }
0x24: {  	s3 =	sadd.s32 $0x88, s3;
	s6 =	simm.s32 @!p1 $0x1082;
	[sflag:s4] =	ssyncset.s32 $0xFFFFF086  }
0x25: {  	[simem:s6], [sflag:s4] =	dma.local [hbm:s3], $0xF7A  }
0x26: {  	[smem:$0x3F9C] =	sst s1;
	(tag) =	ssettag s2;
	_ =	strace s9  }
0x27: {  	s1 =	sld [smem:$0x3FAC]  }
0x28: {  	s2 =	sld [smem:$0x3FAD]  }
0x29: {  	s4 =	sld [smem:$0x3FAF]  }
0x2a: {  	p0 =	seq.s32 s5, $0x0;
	s5 =	sld [smem:$0x3FB0]  }
0x2b: {  	s6 =	sld [smem:$0x3FB1]  }
0x2c: {  	s7 =	sld [smem:$0x3FB2]  }
0x2d: {  	s3 =	simm.s32 $0x108;
	s8 =	sld [smem:$0x3FB3]  }
0x2e: {  	s3 =	simm.s32 @!p0 $0x1082;
	s9 =	sld [smem:$0x3FB4]  }
0x2f: {  	lr =	sadd.s32 s0, s3;
	s0 =	sld [smem:$0x3FAB]  }
0x30: {  	s3 =	sld [smem:$0x3FAE]  }
0x31: {  	[smem:$0x3FB7] =	sst s10  }
0x32: {  	s10 =	sld [smem:$0x3FB5];
	_ =	sdelay $0x3  }
0x33: {  	p0 =	seq.s32 s10, $0x1;
	s10 =	sld [smem:$0x3FB7];
	_ =	sdelay $0x3  }
0x34: {  	[smem:$0x3FB7] =	sst s10  }
0x35: {  	s10 =	sld [smem:$0x3FB6];
	_ =	sdelay $0x3  }
0x36: {  	p1 =	seq.s32 s10, $0x1;
	s10 =	sld [smem:$0x3FB7];
	_ =	sdelay $0x3  }
0x37: {  	[smem:$0x3FB7] =	sst s10  }
0x38: {  	s10 =	sld [smem:$0x3FB8]  }
0x39: {  	_ = 	snop;
	(pc) =	sbr.ind lr, $3  }
0x3a: {  	_ = 	snop  }
0x3b: {  	_ = 	snop  }
0x3c: {  	p2 =	seq.s32 s10, $0x1;
	s10 =	sld [smem:$0x3FB7]  }
0x3d: {  	_ =	shalt  }
0x3e: {  	_ =	shalt  }
0x3f: {  	_ =	shalt  }
0x40: {  	_ =	shalt  }
0x41: {  	_ =	shalt  }
0x42: {  	_ =	shalt  }
0x43: {  	_ =	shalt  }
0x44: {  	_ =	shalt  }
0x45: {  	_ =	shalt  }
0x46: {  	_ =	shalt  }
0x47: {  	_ =	shalt  }
0x48: {  	_ =	shalt  }
0x49: {  	_ =	shalt  }
0x4a: {  	_ =	shalt  }
0x4b: {  	_ =	shalt  }
0x4c: {  	_ =	shalt  }
0x4d: {  	_ =	shalt  }
0x4e: {  	_ =	shalt  }
0x4f: {  	_ =	shalt  }
0x50: {  	_ =	shalt  }
0x51: {  	_ =	shalt  }
0x52: {  	_ =	shalt  }
0x53: {  	_ =	shalt  }
0x54: {  	_ =	shalt  }
0x55: {  	_ =	shalt  }
0x56: {  	_ =	shalt  }
0x57: {  	_ =	shalt  }
0x58: {  	_ =	shalt  }
0x59: {  	_ =	shalt  }
0x5a: {  	_ =	shalt  }
0x5b: {  	_ =	shalt  }
0x5c: {  	_ =	shalt  }
0x5d: {  	_ =	shalt  }
0x5e: {  	_ =	shalt  }
0x5f: {  	_ =	shalt  }
0x60: {  	_ =	shalt  }
0x61: {  	_ =	shalt  }
0x62: {  	_ =	shalt  }
0x63: {  	_ =	shalt  }
0x64: {  	_ =	shalt  }
0x65: {  	_ =	shalt  }
0x66: {  	_ =	shalt  }
0x67: {  	_ =	shalt  }
0x68: {  	_ =	shalt  }
0x69: {  	_ =	shalt  }
0x6a: {  	_ =	shalt  }
0x6b: {  	_ =	shalt  }
0x6c: {  	_ =	shalt  }
0x6d: {  	_ =	shalt  }
0x6e: {  	_ =	shalt  }
0x6f: {  	_ =	shalt  }
0x70: {  	_ =	shalt  }
0x71: {  	_ =	shalt  }
0x72: {  	_ =	shalt  }
0x73: {  	_ =	shalt  }
0x74: {  	_ =	shalt  }
0x75: {  	_ =	shalt  }
0x76: {  	_ =	shalt  }
0x77: {  	_ =	shalt  }
0x78: {  	_ =	shalt  }
0x79: {  	_ =	shalt  }
0x7a: {  	_ =	shalt  }
0x7b: {  	_ =	shalt  }
0x7c: {  	_ =	shalt  }
0x7d: {  	_ =	shalt  }
0x7e: {  	_ =	shalt  }
0x7f: {  	_ =	shalt  }
0x80: {  	_ =	shalt  }
0x81: {  	_ =	shalt  }
0x82: {  	_ =	shalt  }
0x83: {  	_ =	shalt  }
0x84: {  	_ =	shalt  }
0x85: {  	_ =	shalt  }
0x86: {  	_ =	shalt  }
0x87: {  	_ =	shalt  }
.Lfunc_end0:
.L_simem_size_0:
called_computation.2_lowered:
.L_overlay_start_0:
0x88: {  	s2 =	sld [smem:$0x3FD9]  }
0x89: {  	s3 =	sld [smem:$0x3FFE];
	_ =	sdelay $0x1  }
0x8a: {  	s1 =	srdreg.scid  }
0x8b: {  	s0 =	sand.u32 $0x1, s1  }
0x8c: {  	s17 =	sshll.u32 s0, $0xA;
	s2 =	sadd.s32 s3, s2  }
0x8d: {  	s2 =	sadd.s32 s2, s17  }
0x8e: {  	[smem:$0x3FC3] =	sst s2  }
0x8f: {  	_ = 	snop  }
0x90: {  	s18 =	sld [smem:$0x3FD0];
	(tm) =	ssettm $0x1  }
0x91: {  	s19 =	sld [smem:$0x3FFB];
	_ =	sdelay $0x3  }
0x92: {  	_ =	strace s19  }
0x93: {  	s2 =	sld [smem:$0x3FFC];
	_ =	sdelay $0x3  }
0x94: {  	_ =	strace s2  }
0x95: {  	s2 =	sld [smem:$0x3FFD];
	_ =	sdelay $0x3  }
0x96: {  	_ =	strace s2  }
0x97: {  	_ =	strace $0x8FFFFFFF  }
0x98: {  	s20 =	sld [smem:$0x3FDB];
	_ =	sdelay $0x1  }
0x99: {  	s4 =	simm.s32 $_scs_section_size  }
0x9a: {  	s5 =	simm.s32 $_size__tile_overlayer_lowered;
	s6 =	simm.s32 $_tile_overlayer_lowered  }
0x9b: {  	s7 =	simm.s32 $0x1BFF;
	s21 =	sshll.u32 s6, $0x1;
	s4 =	sadd.s32 s4, s20  }
0x9c: {  	s22 =	simm.s32 $0x0;
	s5 =	sshll.u32 s5, $0x1;
	s6 =	sadd.s32 s21, s4  }
0x9d: {  	[timem:s22], [sflag:s7] =	dma.local [hbm:s6], s5  }
0x9e: {  	_ =	swait.ge [sflag:s7], s5  }
0x9f: {  	s5 =	ssub.s32 $0x0, s5;
	[sflag:s7] =	ssyncset.done $0x0  }
0xa0: {  	[sflag:s7] =	ssyncadd.s32 s5;
	_ =	sdelay $0x1  }
0xa1: {  	s23 =	simm.s32 $0x1B8B  }
0xa2: {  	_ =	swait.ge [sflag:s23], $0x1  }
0xa3: {  	[sflag:s23] =	ssyncset.done $0x0  }
0xa4: {  	[sflag:s23] =	ssyncadd.s32 $0xFFFFFFFF  }
0xa5: {  	s5 =	sld [smem:$0x0]  }
0xa6: {  	s6 =	sand.u32 $0xFFFFFFFE, s1  }
0xa7: {  	p0 =	sne.s32 s1, s6  }
0xa8: {  	s6 =	sshll.u32 @p0 s6, $0xE  }
0xa9: {  	s6 =	sadd.s32 @p0 $0x11B8D, s6;
	s7 =	sshll.u32 @p0 s5, $0x11  }
0xaa: {  	s6 =	sor.u32 @p0 s7, s6  }
0xab: {  	[sflag:s6] =	ssyncadd.remote.s32 @p0 $0x1;
	_ =	sdelay $0x1  }
0xac: {  	s6 =	simm.s32 @p0 $0x1B8D  }
0xad: {  	_ =	swait.eq @p0 [sflag:s6], $0x1  }
0xae: {  	[sflag:s6] =	ssyncadd.s32 @p0 $0xFFFFFFFF  }
0xaf: {  	s7 =	sshll.u32 @!p0 s1, $0xE  }
0xb0: {  	s7 =	sor.u32 @!p0 $0x4000, s7;
	s6 =	simm.s32 @!p0 $0x1B8D  }
0xb1: {  	s5 =	sshll.u32 @!p0 s5, $0x11;
	s7 =	sadd.s32 @!p0 $0x11B8D, s7;
	_ =	swait.eq @!p0 [sflag:s6], $0x1  }
0xb2: {  	s5 =	sor.u32 @!p0 s5, s7;
	[sflag:s6] =	ssyncadd.s32 @!p0 $0xFFFFFFFF  }
0xb3: {  	s25 =	simm.s32 $0x1B8E;
	s24 =	sld [smem:$0x3FFE];
	[sflag:s5] =	ssyncadd.remote.s32 @!p0 $0x1  }
0xb4: {  	s26 =	simm.s32 $execute0_lowered;
	[smem:$0x3FD2] =	sst s25  }
0xb5: {  	s6 =	sshll.u32 s26, $0x1;
	_ =	strace $0x8000004C;
	[dreg:$0x1] =	wrdreg $0xFFFFFFFF  }
0xb6: {  	s28 =	simm.s32 $_size_execute0_lowered;
	s4 =	sadd.s32 s4, s6;
	[dreg:$0x0] =	wrdreg $0x0  }
0xb7: {  	s6 =	sshll.u32 s28, $0x1;
	[dreg:$0x2] =	wrdreg s4  }
0xb8: {  	[dreg:$0x3] =	wrdreg s6  }
0xb9: {  	[dreg:$0x4] =	wrdreg $0xC0  }
0xba: {  	_ =	task [dreg:s22], $0x5FFFF  }
0xbb: {  	[dreg:$0x1] =	wrdreg $0xFFFFFFFF  }
0xbc: {  	[dreg:$0x0] =	wrdreg $0x60  }
0xbd: {  	[dreg:$0x2] =	wrdreg s24  }
0xbe: {  	[dreg:$0x3] =	wrdreg s18  }
0xbf: {  	[dreg:$0x4] =	wrdreg $0xA  }
0xc0: {  	_ =	task.clear_ibuf [dreg:s22], $0x5FFFF;
	_ =	strace $0x9000004C  }
0xc1: {  	s29 =	simm.s32 $0xA;
	_ =	strace $0x8000004E  }
0xc2: {  	_ =	swait.ge [sflag:s29], $0x1  }
0xc3: {  	[sflag:s29] =	ssyncadd.s32 $0xFFFFFFFF  }
0xc4: {  	_ =	strace $0x9000004E  }
0xc5: {  	_ =	sfence  }
0xc6: {  	s30 =	sld [smem:$0x0];
	_ =	sdelay $0x2  }
0xc7: {  	s31 =	sshll.u32 s1, $0xD;
	s1 =	sshrl.u32 s1, $0x2  }
0xc8: {  	s4 =	sand.u32 $0x4000, s31;
	s1 =	sadd.s32 s1, s30  }
0xc9: {  	s0 =	sor.u32 s4, s0;
	s1 =	sshll.u32 s1, $0x11  }
0xca: {  	s0 =	sor.u32 s1, s0  }
0xcb: {  	s0 =	sadd.s32 $0x8F2B, s0  }
0xcc: {  	[sflag:s0] =	ssyncadd.remote.s32 $0x1  }
0xcd: {  	_ =	sfence.sel $0xFFFF  }
0xce: {  	[dreg:$0x0] =	wrdreg $0xFFFFFFFF;
	(pc) =	sbr.abs _section_cstart, $3  }
0xcf: {  	[dreg:$0x1] =	wrdreg $0xFFFFFFFF  }
0xd0: {  	_ =	task.clear_ibuf [dreg:s22], $0x2FFFF;
	_ =	strace $0x9FFFFFFF  }
0xd1: {  	(tm) =	ssettm $0x7FFFFFFF  }
tec
execute0_lowered:
.L_overlay_start_1:
0x0: {  	(tag) =	ssettag $0x1  }
0x1: {  	s2 =	rddreg [dreg:$0x0]  }
0x2: {  	s3 =	rddreg [dreg:$0x1]  }
0x3: {  	s0 =	rddreg [dreg:$0x2];
	s1 =	srdreg.scid;
	_ =	strace $0x8000004D  }
0x4: {  	s4 =	simm.s32 $0x1;
	s9 =	simm.s32 $0x3;
	s5 =	sshll.u32 s1, $0x4  }
.Ltmp0:
0x5: {  	s1 =	stileid.u32;
	s5 =	sand.u32 $0x10, s5;
	(pc) =	sbr.rel .LBB2_1-.Ltmp0, $4  }
0x6: {  	s11 =	simm.s32 $0x0;
	p0 =	por $0x0, $0x0;
	s6 =	sor.u32 s1, s5  }
0x7: {  	[sflag:s4] =	ssyncpa.u1 $0x0;
	s5 =	simm.s32 $0x2;
	s6 =	sshll.u32 s6, $0x6  }
0x8: {  	s7 =	sadd.s32 $0x101A00, s2;
	[sflag:s5] =	ssyncpa.u1 $0x0;
	s8 =	sadd.s32 $0x40, s6  }
0x9: {  	vm0 =	vmmov $0xff;
	vm1 =	vcmask $0x3F20;
	[sflag:s9] =	ssyncpa.u1 $0x0;
	s10 =	smov.u32 s6;
	s9 =	simm.s32 $0x0  }
.LBB2_5:
0xa: {  	p1 =	slt.u32 s9, $0x2;
	s11 =	sadd.s32 $0x10, s10  }
0xb: {  	s13 =	smov.u32 s6;
	s9 =	sadd.s32 $0x1, s9;
	p2 =	slt.s32 s11, s8  }
0xc: {  	s13 =	smov.u32 @p2 s11;
	p2 =	sne.s32 s9, $0x6  }
.Ltmp1:
0xd: {  	_ = 	snop;
	(pc) =	sbr.rel @!p2 .LBB2_6-.Ltmp1, $4  }
0xe: {  	s12 =	simm.s32 @!p1 $0x3  }
0xf: {  	_ =	swait.ge @!p1 [sflag:s12], $0x8000  }
0x10: {  	p0 =	por !p0, !p0;
	[sflag:s12] =	ssyncset.done @!p1 $0x0  }
0x11: {  	s11 =	smov.u32 s10;
	s10 =	smov.u32 s13;
	[sflag:s12] =	ssyncadd.s32 @!p1 $0xFFFF8000  }
.LBB2_1:
0x12: {  	p1 =	sgt.u32 s9, $0x3  }
0x13: {  	s12 =	sxor.u32 @!p1 $0xFFFFFFFF, s9  }
0x14: {  	s13 =	sshrl.u32 @!p1 s10, $0x3;
	s12 =	sshll.u32 @!p1 s12, $0x4  }
0x15: {  	s14 =	sand.u32 @!p1 $0x7, s10;
	s13 =	sadd.s32 @!p1 s2, s13;
	s12 =	sand.u32 @!p1 $0x10, s12  }
0x16: {  	[tilespmem:s12], [sflag:$0x2] =	stream.linear.gather @!p1 [hbm4b:s13+s14], $0x10, $0x38;
	[tilespmem:$0x10020] =	vst v63  }
0x17: {  	p1 =	seq.s32 s9, $0x0  }
0x18: {  	p2 =	seq.s32 @!p1 s9, $0x5  }
0x19: {  	p1 =	por p1, p2  }
.Ltmp2:
0x1a: {  	_ = 	snop;
	(pc) =	sbr.rel @p1 .LBB2_5-.Ltmp2, $1  }
0x1b: {  	_ =	sdelay $0x3  }
0x1c: {  	_ =	swait.ge [sflag:s5], $0x10  }
0x1d: {  	s12 =	sand.u32 $0x1, s9;
	[sflag:s5] =	ssyncset.done $0x0  }
0x1e: {  	s13 =	sshll.u32 s12, $0x4;
	[sflag:s5] =	ssyncadd.s32 $0xFFFFFFF0  }
0x1f: {  	v0 =	vld.msk [tilespmem:s13+$0x0 ss:$0x1], $0xffff;
	_ =	sdelay $0x4  }
0x20: {  	vm2 =	vgt.s32 v0, $0x0  }
0x21: {  	v0 =	vnsel vm2, $0x0, v0  }
0x22: {  	v0 =	vmin.u32 v0, $0x1FFF  }
0x23: {  	v1 =	vshll.u32 v0, $0x8;
	v0 =	vshll.u32 v0, $0x4  }
0x24: {  	v1 =	vand.u32 $0x1FF800, v1;
	v0 =	vand.u32 $0x70, v0  }
0x25: {  	s13 =	simm.s32 $0x1;
	v0 =	vor.u32 v0, v1  }
0x26: {  	s13 =	simm.s32 @!p0 $0x0  }
0x27: {  	s13 =	sshll.u32 s13, $0xF  }
0x28: {  	s14 =	sor.u32 $0x20, s13  }
0x29: {  	s12 =	sshll.u32 s12, $0xF;
	s16 =	sadd.s32 $0x0, s14  }
0x2a: {  	[tilespmem:s16], [sflag:$0x1] =	stream.indirect_vreg.gather [hbm:s7], $0x80, v0, vm0, $0x38;
	[tilespmem:$0x10020] =	vst v63  }
0x2b: {  	s15 =	simm.s32 $0x1000;
	s13 =	sor.u32 $0x20, s12;
	v1 =	vadd.s32 $0x80, v0;
	s16 =	sadd.s32 $0x4000, s16  }
.LBB2_3:
0x2c: {  	[tilespmem:s16], [sflag:$0x1] =	stream.indirect_vreg.gather [hbm:s7], $0x80, v0, vm1, $0x38;
	[tilespmem:$0x10020] =	vst v63  }
0x2d: {  	v0 =	vmov v1;
	s16 =	smov.u32 s15;
	p1 =	sne.s32 s15, $0xF000  }
.Ltmp3:
0x2e: {  	s15 =	sadd.s32 $0x1000, s15;
	(pc) =	sbr.rel @p1 .LBB2_3-.Ltmp3, $4  }
0x2f: {  	s16 =	sshra.s32 s16, $0x2  }
0x30: {  	s16 =	sadd.s32 s16, s14  }
0x31: {  	[tilespmem:s16], [sflag:$0x1] =	stream.indirect_vreg.gather [hbm:s7], $0x80, v1, vm0, $0x38;
	[tilespmem:$0x10020] =	vst v63  }
0x32: {  	s16 =	sadd.s32 $0x4000, s16;
	v1 =	vadd.s32 $0x80, v1  }
0x33: {  	_ =	sdelay $0x3  }
0x34: {  	[tilespmem:s16], [sflag:$0x1] =	stream.indirect_vreg.gather [hbm:s7], $0x80, v0, vm1, $0x38;
	[tilespmem:$0x10020] =	vst v63  }
0x35: {  	s14 =	sshll.u32 s11, $0x4;
	s31 =	sshll.u32 s11, $0x8  }
0x36: {  	_ =	swait.ge [sflag:s4], $0x8000;
	s14 =	sand.u32 $0x70, s14;
	s11 =	sand.u32 $0xFFFFF800, s31  }
.Ltmp4:
0x37: {  	[sflag:s4] =	ssyncset.done $0x0;
	s14 =	sadd.s32 s3, s14;
	(pc) =	sbr.rel .LBB2_5-.Ltmp4, $4  }
0x38: {  	[sflag:s4] =	ssyncadd.s32 $0xFFFF8000;
	s11 =	sadd.s32 s11, s14  }
0x39: {  	[hbm:s11] =	stream.linear.scatter [tilespmem:s13], [sflag:$0x3], $0x4000, $0x38;
	[tilespmem:$0x10020] =	vst v63  }
0x3a: {  	s12 =	sadd.s32 $0x4020, s12;
	s11 =	sadd.s32 $0x800, s11  }
0x3b: {  	[hbm:s11] =	stream.linear.scatter [tilespmem:s12], [sflag:$0x3], $0x4000, $0x38;
	[tilespmem:$0x10020] =	vst v63  }
.LBB2_6:
0x3c: {  	_ =	sfence.sel $0x180000  }
0x3d: {  	s2 =	simm.s32 $0x2;
	[bflag:$0x0] =	sbarrier.arrive $0xFFFF  }
0x3e: {  	s30 =	simm.s32 $0x3;
	[sflag:s2] =	ssyncpa.u1 $0x1  }
0x3f: {  	s31 =	simm.s32 $0x1;
	[sflag:s30] =	ssyncpa.u1 $0x1  }
0x40: {  	[sflag:s31] =	ssyncpa.u1 $0x1  }
0x41: {  	p0 =	sne.s32 s1, $0x0;
	_ =	strace $0x9000004D  }
0x42: {  	s0 =	sadd.s32 @!p0 $0x100000, s0;
	[bflag:$0x2] =	sbarrier.arrive $0xFFFF  }
0x43: {  	[sflag:s0] =	ssyncadd.tile.s32 @!p0 $0x1;
	_ =	shalt  }
.Lfunc_end2:
_tile_overlayer_lowered:
.L_overlay_start_2:
0x44: {  	(tag) =	ssettag $0x2  }
0x45: {  	s0 =	rddreg [dreg:$0x0];
	s2 =	stileid.u32  }
0x46: {  	s1 =	rddreg [dreg:$0x1];
	p0 =	sne.s32 s2, $0x0  }
0x47: {  	s3 =	rddreg [dreg:$0x2];
	[bflag:$0x3] =	sbarrier.arrive $0xFFFF;
	s2 =	simm.s32 @!p0 $0x1C01  }
0x48: {  	[timem:s3], [sflag:s2] =	dma.local @!p0 [hbm:s0], s1  }
0x49: {  	s0 =	simm.s32 @!p0 $0x1  }
0x4a: {  	_ =	swait.ge @!p0 [sflag:s0], s1  }
0x4b: {  	s1 =	ssub.s32 @!p0 $0x0, s1;
	[sflag:s0] =	ssyncset.done @!p0 $0x0  }
0x4c: {  	[sflag:s0] =	ssyncadd.s32 @!p0 s1  }
0x4d: {  	[bflag:$0x3] =	sbarrier.arrive $0xFFFF  }
0x4e: {  	_ =	shalt  }

// kernel: gather_offload_async_start
scs
__scs_entry_jumppad:
0x0: {  	(pc) =	sbr.rel $0x88, $3  }
0x1: {  	(tag) =	ssettag $0x0;
	lr =	simm.s32 $0x1  }
0x2: {  	[smem:$0x3F9C] =	sst lr;
	_ =	strace $0xD0000000  }
0x3: {  	_ = 	snop  }
0x4: {  	_ = 	snop  }
0x5: {  	_ = 	snop  }
0x6: {  	_ = 	snop  }
0x7: {  	_ = 	snop  }
__scs_overlays_trampoline_lowered:
0x8: {  	[smem:$0x3FAB] =	sst s0  }
0x9: {  	[smem:$0x3FAC] =	sst s1  }
0xa: {  	[smem:$0x3FAD] =	sst s2  }
0xb: {  	[smem:$0x3FAE] =	sst s3  }
0xc: {  	[smem:$0x3FAF] =	sst s4  }
0xd: {  	[smem:$0x3FB0] =	sst s5  }
0xe: {  	[smem:$0x3FB1] =	sst s6  }
0xf: {  	[smem:$0x3FB2] =	sst s7  }
0x10: {  	[smem:$0x3FB3] =	sst s8  }
0x11: {  	[smem:$0x3FB4] =	sst s9;
	s0 =	simm.s32 @!p0 $0x0  }
0x12: {  	s1 =	sld [smem:$0x3F9A];
	s0 =	simm.s32 @p0 $0x1  }
0x13: {  	[smem:$0x3FB5] =	sst s0;
	s0 =	simm.s32 @!p1 $0x0  }
0x14: {  	s2 =	sld [smem:$0x3F99];
	s0 =	simm.s32 @p1 $0x1  }
0x15: {  	[smem:$0x3FB6] =	sst s0;
	s0 =	simm.s32 @!p2 $0x0  }
0x16: {  	s3 =	sld [smem:$0x3FDB];
	s0 =	simm.s32 @p2 $0x1  }
0x17: {  	s4 =	simm.s32 $0x1BF5;
	[smem:$0x3FB8] =	sst s0  }
0x18: {  	s0 =	sld [smem:$0x3F9B];
	_ =	swait.ge [sflag:s4], $0x0  }
0x19: {  	s7 =	sld [smem:$0x3F9C]  }
0x1a: {  	s8 =	sadd.s32 $0xFFFFE003, lr  }
0x1b: {  	s9 =	sadd.s32 $0xFFFFFEF7, lr;
	s5 =	simm.s32 $0xFFFFFFFF;
	p2 =	slt.u32 s8, $0xFFFFF086  }
0x1c: {  	p1 =	slt.u32 s9, $0xF7A;
	s5 =	simm.s32 @!p2 $0x0  }
0x1d: {  	s5 =	simm.s32 @p1 $0x1;
	p0 =	seq.s32 s7, s2  }
0x1e: {  	s7 =	smul.u32 @!p0 $0xF7A, s2;
	p2 =	seq.s32 @!p0 s5, $0x0  }
0x1f: {  	s9 =	smul.u32 $0xF7A, s1;
	s8 =	simm.s32 @!p0 $0x1BF5;
	p2 =	por !p2, p0  }
0x20: {  	[sflag:s8] =	ssyncset.s32 @!p0 $0xFFFFF086;
	s6 =	sadd.s32 @!p0 s3, s7;
	s7 =	simm.s32 @!p0 $0x108  }
0x21: {  	s3 =	sadd.s32 s3, s9;
	s6 =	sadd.s32 @!p0 $0x88, s6;
	s7 =	simm.s32 @p2 $0x1082  }
0x22: {  	[simem:s7], [sflag:s8] =	dma.local @!p0 [hbm:s6], $0xF7A  }
0x23: {  	s9 =	sor.u32 $0xD0000000, s2;
	s6 =	simm.s32 $0x108;
	_ =	swait.ge @!p0 [sflag:s8], $0x0  }
0x24: {  	s3 =	sadd.s32 $0x88, s3;
	s6 =	simm.s32 @!p1 $0x1082;
	[sflag:s4] =	ssyncset.s32 $0xFFFFF086  }
0x25: {  	[simem:s6], [sflag:s4] =	dma.local [hbm:s3], $0xF7A  }
0x26: {  	[smem:$0x3F9C] =	sst s1;
	(tag) =	ssettag s2;
	_ =	strace s9  }
0x27: {  	s1 =	sld [smem:$0x3FAC]  }
0x28: {  	s2 =	sld [smem:$0x3FAD]  }
0x29: {  	s4 =	sld [smem:$0x3FAF]  }
0x2a: {  	p0 =	seq.s32 s5, $0x0;
	s5 =	sld [smem:$0x3FB0]  }
0x2b: {  	s6 =	sld [smem:$0x3FB1]  }
0x2c: {  	s7 =	sld [smem:$0x3FB2]  }
0x2d: {  	s3 =	simm.s32 $0x108;
	s8 =	sld [smem:$0x3FB3]  }
0x2e: {  	s3 =	simm.s32 @!p0 $0x1082;
	s9 =	sld [smem:$0x3FB4]  }
0x2f: {  	lr =	sadd.s32 s0, s3;
	s0 =	sld [smem:$0x3FAB]  }
0x30: {  	s3 =	sld [smem:$0x3FAE]  }
0x31: {  	[smem:$0x3FB7] =	sst s10  }
0x32: {  	s10 =	sld [smem:$0x3FB5];
	_ =	sdelay $0x3  }
0x33: {  	p0 =	seq.s32 s10, $0x1;
	s10 =	sld [smem:$0x3FB7];
	_ =	sdelay $0x3  }
0x34: {  	[smem:$0x3FB7] =	sst s10  }
0x35: {  	s10 =	sld [smem:$0x3FB6];
	_ =	sdelay $0x3  }
0x36: {  	p1 =	seq.s32 s10, $0x1;
	s10 =	sld [smem:$0x3FB7];
	_ =	sdelay $0x3  }
0x37: {  	[smem:$0x3FB7] =	sst s10  }
0x38: {  	s10 =	sld [smem:$0x3FB8]  }
0x39: {  	_ = 	snop;
	(pc) =	sbr.ind lr, $3  }
0x3a: {  	_ = 	snop  }
0x3b: {  	_ = 	snop  }
0x3c: {  	p2 =	seq.s32 s10, $0x1;
	s10 =	sld [smem:$0x3FB7]  }
0x3d: {  	_ =	shalt  }
0x3e: {  	_ =	shalt  }
0x3f: {  	_ =	shalt  }
0x40: {  	_ =	shalt  }
0x41: {  	_ =	shalt  }
0x42: {  	_ =	shalt  }
0x43: {  	_ =	shalt  }
0x44: {  	_ =	shalt  }
0x45: {  	_ =	shalt  }
0x46: {  	_ =	shalt  }
0x47: {  	_ =	shalt  }
0x48: {  	_ =	shalt  }
0x49: {  	_ =	shalt  }
0x4a: {  	_ =	shalt  }
0x4b: {  	_ =	shalt  }
0x4c: {  	_ =	shalt  }
0x4d: {  	_ =	shalt  }
0x4e: {  	_ =	shalt  }
0x4f: {  	_ =	shalt  }
0x50: {  	_ =	shalt  }
0x51: {  	_ =	shalt  }
0x52: {  	_ =	shalt  }
0x53: {  	_ =	shalt  }
0x54: {  	_ =	shalt  }
0x55: {  	_ =	shalt  }
0x56: {  	_ =	shalt  }
0x57: {  	_ =	shalt  }
0x58: {  	_ =	shalt  }
0x59: {  	_ =	shalt  }
0x5a: {  	_ =	shalt  }
0x5b: {  	_ =	shalt  }
0x5c: {  	_ =	shalt  }
0x5d: {  	_ =	shalt  }
0x5e: {  	_ =	shalt  }
0x5f: {  	_ =	shalt  }
0x60: {  	_ =	shalt  }
0x61: {  	_ =	shalt  }
0x62: {  	_ =	shalt  }
0x63: {  	_ =	shalt  }
0x64: {  	_ =	shalt  }
0x65: {  	_ =	shalt  }
0x66: {  	_ =	shalt  }
0x67: {  	_ =	shalt  }
0x68: {  	_ =	shalt  }
0x69: {  	_ =	shalt  }
0x6a: {  	_ =	shalt  }
0x6b: {  	_ =	shalt  }
0x6c: {  	_ =	shalt  }
0x6d: {  	_ =	shalt  }
0x6e: {  	_ =	shalt  }
0x6f: {  	_ =	shalt  }
0x70: {  	_ =	shalt  }
0x71: {  	_ =	shalt  }
0x72: {  	_ =	shalt  }
0x73: {  	_ =	shalt  }
0x74: {  	_ =	shalt  }
0x75: {  	_ =	shalt  }
0x76: {  	_ =	shalt  }
0x77: {  	_ =	shalt  }
0x78: {  	_ =	shalt  }
0x79: {  	_ =	shalt  }
0x7a: {  	_ =	shalt  }
0x7b: {  	_ =	shalt  }
0x7c: {  	_ =	shalt  }
0x7d: {  	_ =	shalt  }
0x7e: {  	_ =	shalt  }
0x7f: {  	_ =	shalt  }
0x80: {  	_ =	shalt  }
0x81: {  	_ =	shalt  }
0x82: {  	_ =	shalt  }
0x83: {  	_ =	shalt  }
0x84: {  	_ =	shalt  }
0x85: {  	_ =	shalt  }
0x86: {  	_ =	shalt  }
0x87: {  	_ =	shalt  }
.Lfunc_end0:
.L_simem_size_0:
called_computation_lowered:
.L_overlay_start_0:
0x88: {  	s2 =	sld [smem:$0x3FD9]  }
0x89: {  	s3 =	sld [smem:$0x3FFE];
	_ =	sdelay $0x1  }
0x8a: {  	s1 =	srdreg.scid  }
0x8b: {  	s0 =	sand.u32 $0x1, s1  }
0x8c: {  	s17 =	sshll.u32 s0, $0xA;
	s2 =	sadd.s32 s3, s2  }
0x8d: {  	s2 =	sadd.s32 s2, s17  }
0x8e: {  	[smem:$0x3FC3] =	sst s2  }
0x8f: {  	_ = 	snop  }
0x90: {  	s2 =	sld [smem:$0x3FD0];
	(tm) =	ssettm $0x1  }
0x91: {  	s18 =	sld [smem:$0x3FFB];
	_ =	sdelay $0x3  }
0x92: {  	_ =	strace s18  }
0x93: {  	s3 =	sld [smem:$0x3FFC];
	_ =	sdelay $0x3  }
0x94: {  	_ =	strace s3  }
0x95: {  	s3 =	sld [smem:$0x3FFD];
	_ =	sdelay $0x3  }
0x96: {  	_ =	strace s3  }
0x97: {  	_ =	strace $0x8FFFFFFF  }
0x98: {  	s19 =	sld [smem:$0x3FDB];
	_ =	sdelay $0x1  }
0x99: {  	s4 =	simm.s32 $_scs_section_size  }
0x9a: {  	s5 =	simm.s32 $_size__tile_overlayer_lowered;
	s6 =	simm.s32 $_tile_overlayer_lowered  }
0x9b: {  	s22 =	simm.s32 $0x1BFF;
	s21 =	sshll.u32 s6, $0x1;
	s3 =	sadd.s32 s4, s19  }
0x9c: {  	s7 =	simm.s32 $0x0;
	s20 =	sshll.u32 s5, $0x1;
	s5 =	sadd.s32 s21, s3  }
0x9d: {  	[timem:s7], [sflag:s22] =	dma.local [hbm:s5], s20  }
0x9e: {  	_ =	swait.ge [sflag:s22], s20  }
0x9f: {  	s4 =	ssub.s32 $0x0, s20;
	[sflag:s22] =	ssyncset.done $0x0  }
0xa0: {  	[sflag:s22] =	ssyncadd.s32 s4;
	_ =	sdelay $0x1  }
0xa1: {  	s23 =	simm.s32 $0x1B8B  }
0xa2: {  	_ =	swait.ge [sflag:s23], $0x1  }
0xa3: {  	[sflag:s23] =	ssyncset.done $0x0  }
0xa4: {  	s25 =	simm.s32 $0x1B8E;
	s24 =	sld [smem:$0x3FFE];
	[sflag:s23] =	ssyncadd.s32 $0xFFFFFFFF  }
0xa5: {  	s26 =	simm.s32 $execute0_lowered;
	[smem:$0x3FD2] =	sst s25  }
0xa6: {  	s5 =	sshll.u32 s26, $0x1;
	_ =	strace $0x80000046;
	[dreg:$0x1] =	wrdreg $0xFFFFFFFF  }
0xa7: {  	s28 =	simm.s32 $_size_execute0_lowered;
	s3 =	sadd.s32 s3, s5;
	[dreg:$0x0] =	wrdreg $0x0  }
0xa8: {  	s5 =	sshll.u32 s28, $0x1;
	[dreg:$0x2] =	wrdreg s3  }
0xa9: {  	[dreg:$0x3] =	wrdreg s5  }
0xaa: {  	[dreg:$0x4] =	wrdreg $0xC0  }
0xab: {  	_ =	task [dreg:s7], $0x5FFFF  }
0xac: {  	[dreg:$0x1] =	wrdreg $0xFFFFFFFF  }
0xad: {  	[dreg:$0x0] =	wrdreg $0x60  }
0xae: {  	[dreg:$0x2] =	wrdreg s2  }
0xaf: {  	[dreg:$0x3] =	wrdreg s24  }
0xb0: {  	[dreg:$0x4] =	wrdreg $0x9  }
0xb1: {  	_ =	task.clear_ibuf [dreg:s7], $0x5FFFF;
	_ =	strace $0x90000046  }
0xb2: {  	s29 =	simm.s32 $0x9;
	_ =	strace $0x80000048  }
0xb3: {  	_ =	swait.ge [sflag:s29], $0x1  }
0xb4: {  	[sflag:s29] =	ssyncadd.s32 $0xFFFFFFFF  }
0xb5: {  	_ =	strace $0x90000048  }
0xb6: {  	_ =	sfence  }
0xb7: {  	s30 =	sld [smem:$0x0];
	_ =	sdelay $0x2  }
0xb8: {  	s31 =	sshll.u32 s1, $0xD;
	s1 =	sshrl.u32 s1, $0x2  }
0xb9: {  	s3 =	sand.u32 $0x4000, s31;
	s1 =	sadd.s32 s1, s30  }
0xba: {  	s0 =	sor.u32 s3, s0;
	s1 =	sshll.u32 s1, $0x11  }
0xbb: {  	s0 =	sor.u32 s1, s0  }
0xbc: {  	s0 =	sadd.s32 $0x8F2B, s0  }
0xbd: {  	[sflag:s0] =	ssyncadd.remote.s32 $0x1  }
0xbe: {  	_ =	sfence.sel $0xFFFF  }
0xbf: {  	[dreg:$0x0] =	wrdreg $0xFFFFFFFF;
	(pc) =	sbr.abs _section_cstart, $3  }
0xc0: {  	[dreg:$0x1] =	wrdreg $0xFFFFFFFF  }
0xc1: {  	_ =	task.clear_ibuf [dreg:s7], $0x2FFFF;
	_ =	strace $0x9FFFFFFF  }
0xc2: {  	(tm) =	ssettm $0x7FFFFFFF  }
0xc3: {  	_ =	shalt  }
tec
execute0_lowered:
.L_overlay_start_1:
0x0: {  	(tag) =	ssettag $0x1  }
0x1: {  	s1 =	srdreg.scid;
	s2 =	rddreg [dreg:$0x0]  }
0x2: {  	s0 =	stileid.u32;
	s5 =	rddreg [dreg:$0x1];
	s6 =	simm.s32 $0x1  }
0x3: {  	s9 =	simm.s32 $0x1;
	s10 =	simm.s32 $0x3;
	s1 =	sshll.u32 s1, $0x6  }
0x4: {  	s13 =	simm.s32 $0x0;
	s3 =	sshll.u32 s0, $0x7;
	s4 =	sand.u32 $0x40, s1  }
0x5: {  	s12 =	simm.s32 $0x0;
	s1 =	rddreg [dreg:$0x2];
	s3 =	sor.u32 s3, s4  }
0x6: {  	_ =	strace $0x80000047;
	s4 =	sadd.s32 $0x1400, s5;
	s8 =	ssub.s32 $0x1000, s3  }
.Ltmp0:
0x7: {  	s5 =	sadd.s32 $0x1A00, s5;
	s7 =	sand.u32 $0x7C0, s8;
	(pc) =	sbr.rel .LBB2_1-.Ltmp0, $4  }
0x8: {  	[sflag:s6] =	ssyncpa.u1 $0x0;
	s11 =	smov.u32 s3;
	p0 =	sne.s32 s7, $0x0  }
0x9: {  	s8 =	sshrl.u32 s8, $0xB;
	s7 =	simm.s32 $0x2;
	s9 =	simm.s32 @!p0 $0x0  }
0xa: {  	[sflag:s7] =	ssyncpa.u1 $0x0;
	p0 =	por $0x0, $0x0;
	s8 =	sadd.s32 s9, s8  }
0xb: {  	vm0 =	vmmov $0xffff;
	[sflag:s10] =	ssyncpa.u1 $0x0;
	s10 =	simm.s32 $0x0;
	s9 =	sadd.s32 $0x1, s8  }
.LBB2_4:
0xc: {  	v5 =	vshrl.u32 v1, $0xC;
	v6 =	vshll.u32 v1, $0x7  }
0xd: {  	vm1 =	veq.s32 v1, $0x80000000;
	v58 =	vand.u32 $0x7, v5;
	v59 =	vand.u32 $0x7FF80, v6  }
0xe: {  	v1 =	vsel vm1, $0xFFFFFFFF, v58;
	v5 =	vsel vm1, $0xFFFFFF80, v59  }
0xf: {  	v3 =	vor.u32 v4, v3;
	v60 =	vand.u32 $0xFFFFFC00, v5;
	v61 =	vand.u32 $0xFFFFFC00, v1  }
0x10: {  	v2 =	vor.u32 v2, v3;
	v63 =	vand.u32 $0x380, v5;
	v62 =	vadd.s32 v61, v60  }
0x11: {  	v1 =	vand.u32 $0x7F, v1;
	v3 =	vor.u32 v63, v62  }
0x12: {  	v1 =	vor.u32 v1, v3  }
0x13: {  	[tilespmem:s15], [sflag:$0x1] =	stream.indirect_vreg.gather [hbm4b:s2+s10], $0x1, v0, vm0, $0x4038;
	[tilespmem:$0x100] =	vst v63  }
0x14: {  	(ifvalue) =	ssetifvalue $0x7FFFFFFF  }
0x15: {  	[tilespmem:s16], [sflag:$0x1] =	stream.indirect_vreg.gather [hbm4b:s2+s10], $0x1, v2, vm0, $0x4038;
	[tilespmem:$0x100] =	vst v63  }
0x16: {  	s29 =	sadd.s32 $0x10, s16;
	(ifvalue) =	ssetifvalue $0x7FFFFFFF  }
0x17: {  	[tilespmem:s29], [sflag:$0x1] =	stream.indirect_vreg.gather [hbm4b:s2+s10], $0x1, v1, vm0, $0x4038;
	[tilespmem:$0x100] =	vst v63  }
0x18: {  	_ =	swait.ge [sflag:s6], $0x40  }
0x19: {  	s30 =	sshrl.u32 s13, $0x3;
	[sflag:s6] =	ssyncset.done $0x0  }
0x1a: {  	s31 =	sand.u32 $0x7, s13;
	s15 =	sadd.s32 s5, s30;
	[sflag:s6] =	ssyncadd.s32 $0xFFFFFFC0  }
0x1b: {  	[hbm4b:s15+s31] =	stream.linear.scatter [tilespmem:s14], [sflag:$0x3], $0x40, $0x38;
	[tilespmem:$0x100] =	vst v63  }
.LBB2_5:
0x1c: {  	s15 =	sadd.s32 $0x800, s11  }
0x1d: {  	p2 =	sgt.s32 s15, $0xFFF  }
0x1e: {  	s15 =	smov.u32 @p2 s3;
	p2 =	sne.s32 s12, s9  }
.Ltmp1:
0x1f: {  	p1 =	slt.u32 s12, $0x2;
	(pc) =	sbr.rel @!p2 .LBB2_6-.Ltmp1, $4  }
0x20: {  	s14 =	simm.s32 @!p1 $0x3  }
0x21: {  	s16 =	sadd.s32 $0x1, s12;
	_ =	swait.ge @!p1 [sflag:s14], $0x40  }
0x22: {  	s13 =	smov.u32 s11;
	p0 =	por !p0, !p0;
	[sflag:s14] =	ssyncset.done @!p1 $0x0  }
0x23: {  	s12 =	smov.u32 s16;
	s11 =	smov.u32 s15;
	[sflag:s14] =	ssyncadd.s32 @!p1 $0xFFFFFFC0  }
.LBB2_1:
0x24: {  	p1 =	sge.u32 s12, s8  }
0x25: {  	s14 =	sxor.u32 @!p1 $0xFFFFFFFF, s12  }
0x26: {  	s31 =	sadd.s32 $0xFFFFFFFF, s12;
	s15 =	sshrl.u32 @!p1 s11, $0x3;
	s14 =	sshll.u32 @!p1 s14, $0x6  }
0x27: {  	s16 =	sand.u32 @!p1 $0x7, s11;
	s15 =	sadd.s32 @!p1 s4, s15;
	s14 =	sand.u32 @!p1 $0x40, s14  }
0x28: {  	[tilespmem:s14], [sflag:$0x2] =	stream.linear.gather @!p1 [hbm4b:s15+s16], $0x40, $0x38;
	[tilespmem:$0x100] =	vst v63  }
0x29: {  	p1 =	sge.u32 s31, s8  }
.Ltmp2:
0x2a: {  	_ = 	snop;
	(pc) =	sbr.rel @p1 .LBB2_5-.Ltmp2, $1  }
0x2b: {  	_ =	sdelay $0x3  }
0x2c: {  	s14 =	simm.s32 $0x1  }
0x2d: {  	_ =	swait.ge [sflag:s7], $0x40;
	s14 =	simm.s32 @!p0 $0x0  }
0x2e: {  	[sflag:s7] =	ssyncset.done $0x0;
	s14 =	sshll.u32 s14, $0x6  }
0x2f: {  	[sflag:s7] =	ssyncadd.s32 $0xFFFFFFC0;
	(ifvalue) =	ssetifvalue $0x7FFFFFFF;
	v0 =	vld.msk [tilespmem:s14+$0x0 ss:$0x1], $0xffff;
	_ =	sdelay $0x4  }
0x30: {  	s15 =	sadd.s32 $0x10, s14;
	v2 =	vshrl.u32 v0, $0xC;
	v3 =	vshll.u32 v0, $0x7  }
0x31: {  	v1 =	vld.msk [tilespmem:s15+$0x0 ss:$0x1], $0xffff;
	vm1 =	veq.s32 v0, $0x80000000;
	v0 =	vand.u32 $0x7, v2;
	v2 =	vand.u32 $0x7FF80, v3  }
0x32: {  	v0 =	vsel vm1, $0xFFFFFFFF, v0;
	v2 =	vsel vm1, $0xFFFFFF80, v2  }
0x33: {  	v3 =	vand.u32 $0xFFFFFC00, v2;
	v4 =	vand.u32 $0xFFFFFC00, v0  }
0x34: {  	v2 =	vand.u32 $0x380, v2;
	v3 =	vadd.s32 v4, v3  }
0x35: {  	v0 =	vand.u32 $0x7F, v0;
	v2 =	vor.u32 v2, v3  }
0x36: {  	v5 =	vshll.u32 v1, $0x7;
	v4 =	vshrl.u32 v1, $0xC;
	v0 =	vor.u32 v0, v2  }
0x37: {  	s16 =	sshll.u32 s12, $0x6;
	vm1 =	veq.s32 v1, $0x80000000;
	v1 =	vand.u32 $0x7, v4;
	v4 =	vand.u32 $0x7FF80, v5  }
0x38: {  	s16 =	sand.u32 $0x40, s16;
	s18 =	sadd.s32 $0x10, s15;
	v3 =	vsel vm1, $0xFFFFFFFF, v1;
	v4 =	vsel vm1, $0xFFFFFF80, v4  }
0x39: {  	s17 =	simm.s32 $0x20;
	s15 =	sor.u32 $0x80, s14;
	s14 =	sor.u32 $0x80, s16;
	v1 =	vld.msk [tilespmem:s18+$0x0 ss:$0x1], $0xffff;
	v5 =	vand.u32 $0xFFFFFC00, v4;
	v6 =	vand.u32 $0xFFFFFC00, v3  }
0x3a: {  	s16 =	sadd.s32 $0x10, s15;
	s18 =	sadd.s32 $0x10, s18;
	(ifvalue) =	ssetifvalue $0x7FFFFFFF;
	v2 =	vand.u32 $0x7F, v3;
	v4 =	vand.u32 $0x380, v4;
	v3 =	vadd.s32 v6, v5  }
.LBB2_3:
0x3b: {  	[tilespmem:s15], [sflag:$0x1] =	stream.indirect_vreg.gather [hbm4b:s2+s10], $0x1, v0, vm0, $0x4038;
	[tilespmem:$0x100] =	vst v63  }
0x3c: {  	s17 =	sadd.s32 $0x10, s17  }
0x3d: {  	v3 =	vor.u32 v4, v3;
	p1 =	slt.u32 s17, $0x30  }
.Ltmp3:
0x3e: {  	v4 =	vshrl.u32 v1, $0xC;
	v5 =	vshll.u32 v1, $0x7;
	s15 =	smov.u32 s16;
	v0 =	vor.u32 v2, v3;
	v2 =	vmovc v1;
	v1 =	vld.msk [tilespmem:s18+$0x0 ss:$0x1], $0xffff;
	(pc) =	sbr.rel @p1 .LBB2_3-.Ltmp3, $4  }
0x3f: {  	v3 =	vand.u32 $0x7FF80, v5;
	vm1 =	veq.s32 v2, $0x80000000;
	v2 =	vand.u32 $0x7, v4  }
0x40: {  	v4 =	vsel vm1, $0xFFFFFFFF, v2;
	v5 =	vsel vm1, $0xFFFFFF80, v3  }
0x41: {  	v2 =	vand.u32 $0x7F, v4;
	v3 =	vand.u32 $0xFFFFFC00, v5;
	v4 =	vand.u32 $0xFFFFFC00, v4  }
0x42: {  	s16 =	sadd.s32 $0x10, s16;
	s18 =	sadd.s32 $0x10, s18;
	v3 =	vadd.s32 v4, v3;
	v4 =	vand.u32 $0x380, v5;
	(ifvalue) =	ssetifvalue $0x7FFFFFFF  }
.Ltmp4:
0x43: {  	_ = 	snop;
	(pc) =	sbr.rel .LBB2_4-.Ltmp4, $1  }
0x44: {  	_ =	sdelay $0x3  }
.LBB2_6:
0x45: {  	_ =	sfence.sel $0x180000  }
0x46: {  	s2 =	simm.s32 $0x2;
	[bflag:$0x0] =	sbarrier.arrive $0xFFFF  }
0x47: {  	s30 =	simm.s32 $0x3;
	[sflag:s2] =	ssyncpa.u1 $0x1  }
0x48: {  	s31 =	simm.s32 $0x1;
	[sflag:s30] =	ssyncpa.u1 $0x1  }
0x49: {  	[sflag:s31] =	ssyncpa.u1 $0x1  }
0x4a: {  	p0 =	sne.s32 s0, $0x0;
	_ =	strace $0x90000047  }
0x4b: {  	s0 =	sadd.s32 @!p0 $0x100000, s1;
	[bflag:$0x2] =	sbarrier.arrive $0xFFFF  }
0x4c: {  	[sflag:s0] =	ssyncadd.tile.s32 @!p0 $0x1;
	_ =	shalt  }
.Lfunc_end2:
_tile_overlayer_lowered:
.L_overlay_start_2:
0x4d: {  	(tag) =	ssettag $0x2  }
0x4e: {  	s0 =	rddreg [dreg:$0x0];
	s2 =	stileid.u32  }
0x4f: {  	s1 =	rddreg [dreg:$0x1];
	p0 =	sne.s32 s2, $0x0  }
0x50: {  	s3 =	rddreg [dreg:$0x2];
	[bflag:$0x3] =	sbarrier.arrive $0xFFFF;
	s2 =	simm.s32 @!p0 $0x1C01  }
0x51: {  	[timem:s3], [sflag:s2] =	dma.local @!p0 [hbm:s0], s1  }
0x52: {  	s0 =	simm.s32 @!p0 $0x1  }
0x53: {  	_ =	swait.ge @!p0 [sflag:s0], s1  }
0x54: {  	s1 =	ssub.s32 @!p0 $0x0, s1;
	[sflag:s0] =	ssyncset.done @!p0 $0x0  }
0x55: {  	[sflag:s0] =	ssyncadd.s32 @!p0 s1  }
0x56: {  	[bflag:$0x3] =	sbarrier.arrive $0xFFFF  }
0x57: {  	_ =	shalt  }

</sc_bundles>
